<compile_context>
chip_gen: v7x
topology: tpu7x:2x2x1
jax: 0.10.2.dev20260603
libtpu: 0.0.44.dev20260713+nightly
codegen_flags: <defaults>
</compile_context>

<pallas_src>
import jax
import jax.numpy as jnp
from jax import lax
from jax.experimental import pallas as pl
from jax.experimental.pallas import tpu as pltpu
from jax.experimental.pallas import tpu_sc as plsc


_B, _L, _D = 16, 4096, 1024
_NC, _NS = 2, 16
_CH = 32
_SPLIT = 3584
_SC_ROWS = _L - _SPLIT
_HALF = _SC_ROWS // 2
_NCHUNK = _HALF // _CH
_VECS = _D // 16


def _sc_body(x_hbm, out_hbm, buf, acc, shared, sem0, sem1):
    c = lax.axis_index("c")
    s = lax.axis_index("s")
    b = c * (_NS // 2) + s // 2
    row0 = _SPLIT + (s % 2) * _HALF
    sems = (sem0, sem1)

    def _start(chunk, slot, sem):
        pltpu.async_copy(
            x_hbm.at[b, pl.ds(row0 + chunk * _CH, _CH), :],
            buf.at[slot],
            sem,
        )

    def _wait(slot, sem):
        pltpu.make_async_copy(
            x_hbm.at[b, pl.ds(row0, _CH), :], buf.at[slot], sem
        ).wait()

    zero = jnp.zeros((16,), jnp.float32)

    def _zero(j, _):
        acc[pl.ds(pl.multiple_of(j * 16, 16), 16)] = zero
        return ()

    lax.fori_loop(0, _VECS, _zero, ())

    _start(0, 0, sem0)
    _start(1, 1, sem1)

    def _accum(slot):
        def body(j, _):
            o = pl.multiple_of(j * 16, 16)
            rows = [buf[slot, r, pl.ds(o, 16)] for r in range(_CH)]
            while len(rows) > 1:
                rows = [rows[i] + rows[i + 1] for i in range(0, len(rows), 2)]
            acc[pl.ds(o, 16)] = acc[pl.ds(o, 16)] + rows[0]
            return ()

        lax.fori_loop(0, _VECS, body, ())

    def _main(g, _):
        for slot in (0, 1):
            chunk = 2 * g + slot
            _wait(slot, sems[slot])
            _accum(slot)
            nxt = chunk + 2

            @pl.when(nxt < _NCHUNK)
            def _():
                _start(nxt, slot, sems[slot])

        return ()

    lax.fori_loop(0, _NCHUNK // 2, _main, ())

    pltpu.sync_copy(acc, shared.at[s])
    plsc.subcore_barrier()

    @pl.when(s < _NS // 2)
    def _combine():
        pltpu.sync_copy(shared.at[2 * s], buf.at[0, 0])
        pltpu.sync_copy(shared.at[2 * s + 1], buf.at[0, 1])

        def body(j, _):
            o = pl.multiple_of(j * 16, 16)
            acc[pl.ds(o, 16)] = buf[0, 0, pl.ds(o, 16)] + buf[0, 1, pl.ds(o, 16)]
            return ()

        lax.fori_loop(0, _VECS, body, ())
        pltpu.sync_copy(acc, out_hbm.at[c * (_NS // 2) + s])


def _sc_sum(inputs):
    mesh = plsc.VectorSubcoreMesh(core_axis_name="c", subcore_axis_name="s")
    f = pl.kernel(
        _sc_body,
        mesh=mesh,
        out_type=jax.ShapeDtypeStruct((_B, _D), jnp.float32),
        scratch_types=[
            pltpu.VMEM((2, _CH, _D), jnp.float32),
            pltpu.VMEM((_D,), jnp.float32),
            pltpu.VMEM_SHARED((_NS, _D), jnp.float32),
            pltpu.SemaphoreType.DMA,
            pltpu.SemaphoreType.DMA,
        ],
    )
    return f(inputs)


_TC_CHUNK = 1792


def _tc_sum_kernel(x_ref, o_ref):
    @pl.when(pl.program_id(1) == 0)
    def _init():
        o_ref[...] = jnp.zeros_like(o_ref)

    o_ref[...] += jnp.sum(x_ref[...], axis=1, keepdims=True)


def _tc_sum(inputs):
    grid = (_B, _SPLIT // _TC_CHUNK)
    out = pl.pallas_call(
        _tc_sum_kernel,
        grid=grid,
        in_specs=[pl.BlockSpec((1, _TC_CHUNK, _D), lambda i, j: (i, j, 0))],
        out_specs=pl.BlockSpec((1, 1, _D), lambda i, j: (i, 0, 0)),
        out_shape=jax.ShapeDtypeStruct((_B, 1, _D), inputs.dtype),
        compiler_params=pltpu.CompilerParams(
            dimension_semantics=("parallel", "arbitrary"),
        ),
    )(inputs)
    return out.reshape(_B, _D)


def kernel(inputs):
    return _tc_sum(inputs) + _sc_sum(inputs)

# --- scband reference (transcript-rebuilt; emitter-appended) ---
"""Pipeline reference for scband-permop-ragged-74277164417647 (READ-ONLY COPY).

The authoritative reference and input builder live on the scoring server;
editing this copy changes nothing except your own understanding.
"""

import jax, jax.numpy as jnp
import numpy as np

def setup_inputs(seed: int = 0) -> dict:
    key = jax.random.key(seed)
    inputs = jax.random.normal(key, (16, 4096, 1024), dtype=jnp.float32)
    return {"inputs": inputs}

def reference(inputs):
    # torch.stack([torch.sum(x, dim=0) for x in inputs])
    # iterating a 3D tensor over dim 0 and summing each slice over its dim 0
    # is equivalent to summing over axis=1 of the stacked tensor.
    return jnp.sum(inputs, axis=1)

if __name__ == "__main__":
    import jax
    _d = setup_inputs()
    print(jax.jit(kernel)(*tuple(_d.values())))

</pallas_src>

<mosaic_0001>
#map = affine_map<(d0, d1) -> (0, 0, 0)>
#map1 = affine_map<(d0, d1) -> (0, 0)>
module attributes {stable_mosaic.version = 14 : i64} {
  func.func @_sc_body(%arg0: i32, %arg1: i32, %arg2: memref<16x4096x1024xf32, #tpu.memory_space<hbm>>, %arg3: memref<16x1024xf32, #tpu.memory_space<hbm>>, %arg4: memref<2x32x1024xf32, #tpu.memory_space<vmem>>, %arg5: memref<1024xf32, #tpu.memory_space<vmem>>, %arg6: memref<16x1024xf32, #tpu.memory_space<vmem_shared>>, %arg7: memref<!tpu.dma_semaphore, #tpu.memory_space<semaphore_mem>>, %arg8: memref<!tpu.dma_semaphore, #tpu.memory_space<semaphore_mem>>) attributes {dimension_semantics = [#tpu.dimension_semantics<core_parallel>, #tpu.dimension_semantics<subcore_parallel>], iteration_bounds = array<i64: 2, 16>, scalar_prefetch = 0 : i64, scratch_operands = 5 : i64, tpu.core_type = #tpu.core_type<sc_vector_subcore>, window_params = [{transform_indices = #map}, {transform_indices = #map1}]} {
    %mul3A = arith.constant 8 : i32
    %mul3A_0 = arith.muli %arg0, %mul3A : i32
    %jit3A = arith.constant 2 : i32
    %div3A = arith.divsi %arg1, %jit3A : i32
    %sign3A = arith.constant 0 : i32
    %sign3A_1 = arith.cmpi sgt, %arg1, %sign3A : i32
    %sign3A_2 = arith.extui %sign3A_1 : i1 to i32
    %sign3A_3 = arith.constant 0 : i32
    %sign3A_4 = arith.cmpi slt, %arg1, %sign3A_3 : i32
    %sign3A_5 = arith.extui %sign3A_4 : i1 to i32
    %sign3A_6 = arith.subi %sign3A_2, %sign3A_5 : i32
    %sign3A_7 = arith.constant 0 : i32
    %sign3A_8 = arith.cmpi sgt, %jit3A, %sign3A_7 : i32
    %sign3A_9 = arith.extui %sign3A_8 : i1 to i32
    %sign3A_10 = arith.constant 0 : i32
    %sign3A_11 = arith.cmpi slt, %jit3A, %sign3A_10 : i32
    %sign3A_12 = arith.extui %sign3A_11 : i1 to i32
    %sign3A_13 = arith.subi %sign3A_9, %sign3A_12 : i32
    %ne3A = arith.cmpi ne, %sign3A_6, %sign3A_13 : i32
    %rem3A = arith.remsi %arg1, %jit3A : i32
    %ne3A_14 = arith.constant 0 : i32
    %ne3A_15 = arith.cmpi ne, %rem3A, %ne3A_14 : i32
    %and3A = arith.andi %ne3A, %ne3A_15 : i1
    %sub3A = arith.constant 1 : i32
    %sub3A_16 = arith.subi %div3A, %sub3A : i32
    %select_n3A = arith.select %and3A, %sub3A_16, %div3A : i32
    %add3A = arith.addi %mul3A_0, %select_n3A : i32
    %jit3A_17 = arith.constant 2 : i32
    %eq3A = arith.constant 0 : i32
    %eq3A_18 = arith.cmpi eq, %jit3A_17, %eq3A : i32
    %jit3A_19 = arith.constant 1 : i32
    %select_n3A_20 = arith.select %eq3A_18, %jit3A_19, %jit3A_17 : i32
    %rem3A_21 = arith.remsi %arg1, %select_n3A_20 : i32
    %ne3A_22 = arith.constant 0 : i32
    %ne3A_23 = arith.cmpi ne, %rem3A_21, %ne3A_22 : i32
    %lt3A = arith.constant 0 : i32
    %lt3A_24 = arith.cmpi slt, %rem3A_21, %lt3A : i32
    %lt3A_25 = arith.constant 0 : i32
    %lt3A_26 = arith.cmpi slt, %select_n3A_20, %lt3A_25 : i32
    %ne3A_27 = arith.xori %lt3A_24, %lt3A_26 : i1
    %and3A_28 = arith.andi %ne3A_27, %ne3A_23 : i1
    %add3A_29 = arith.addi %rem3A_21, %select_n3A_20 : i32
    %select_n3A_30 = arith.select %and3A_28, %add3A_29, %rem3A_21 : i32
    %mul3A_31 = arith.constant 256 : i32
    %mul3A_32 = arith.muli %select_n3A_30, %mul3A_31 : i32
    %add3A_33 = arith.constant 3584 : i32
    %add3A_34 = arith.addi %add3A_33, %mul3A_32 : i32
    %broadcast_in_dim3A = arith.constant 0.000000e+00 : f32
    %broadcast_in_dim3A_35 = vector.broadcast %broadcast_in_dim3A : f32 to vector<16xf32>
    %scan3A = arith.constant 0 : i32
    %scan3A_36 = arith.constant 64 : i32
    %scan3A_37 = arith.addi %scan3A, %scan3A_36 : i32
    %scan3A_38 = arith.constant 1 : i32
    scf.for %scan3A_81 = %scan3A to %scan3A_37 step %scan3A_38  : i32 {
      %mul3A_82 = arith.constant 16 : i32
      %mul3A_83 = arith.muli %scan3A_81, %mul3A_82 : i32
      %multiple_of3A = tpu.assume_multiple %mul3A_83, 16 : i32
      %swap3A = arith.index_cast %multiple_of3A : i32 to index
      %swap3A_84 = tpu.vector_load %arg5[%swap3A] {strides = array<i32>} : memref<1024xf32, #tpu.memory_space<vmem>>, vector<16xf32>,
      %swap3A_85 = vector.shape_cast %swap3A_84 : vector<16xf32> to vector<16xf32>
      %swap3A_86 = vector.shape_cast %broadcast_in_dim3A_35 : vector<16xf32> to vector<16xf32>
      tpu.vector_store %arg5[%swap3A], %swap3A_86 {strides = array<i32>} : memref<1024xf32, #tpu.memory_space<vmem>>, vector<16xf32>,
    }
    %scan3A_39 = arith.constant 64 : i32
    %add3A_40 = arith.constant 0 : i32
    %add3A_41 = arith.addi %add3A_34, %add3A_40 : i32
    %dma_start3A = arith.constant 0 : i32
    %dma_start3A_42 = arith.constant 0 : i32
    %dma_start3A_43 = arith.constant 0 : i32
    %dma_start3A_44 = tpu.memref_slice %arg4[%dma_start3A, %dma_start3A_42, %dma_start3A_43] : memref<2x32x1024xf32, #tpu.memory_space<vmem>> -> memref<1x32x1024xf32, #tpu.memory_space<vmem>>
    %dma_start3A_45 = tpu.memref_squeeze %dma_start3A_44 : memref<1x32x1024xf32, #tpu.memory_space<vmem>> -> memref<32x1024xf32, #tpu.memory_space<vmem>>
    %dma_start3A_46 = arith.constant 0 : i32
    %dma_start3A_47 = tpu.memref_slice %arg2[%add3A, %add3A_41, %dma_start3A_46] : memref<16x4096x1024xf32, #tpu.memory_space<hbm>> -> memref<1x32x1024xf32, #tpu.memory_space<hbm>>
    %dma_start3A_48 = tpu.memref_squeeze %dma_start3A_47 : memref<1x32x1024xf32, #tpu.memory_space<hbm>> -> memref<32x1024xf32, #tpu.memory_space<hbm>>
    %dma_start3A_49 = arith.constant 0 : i32
    %dma_start3A_50 = arith.constant 0 : i32
    %dma_start3A_51 = tpu.memref_slice %arg4[%dma_start3A, %dma_start3A_49, %dma_start3A_50] : memref<2x32x1024xf32, #tpu.memory_space<vmem>> -> memref<1x32x1024xf32, #tpu.memory_space<vmem>>
    %dma_start3A_52 = tpu.memref_squeeze %dma_start3A_51 : memref<1x32x1024xf32, #tpu.memory_space<vmem>> -> memref<32x1024xf32, #tpu.memory_space<vmem>>
    %dma_start3A_53 = arith.constant 0 : i32
    %dma_start3A_54 = tpu.memref_slice %arg2[%add3A, %add3A_41, %dma_start3A_53] : memref<16x4096x1024xf32, #tpu.memory_space<hbm>> -> memref<1x32x1024xf32, #tpu.memory_space<hbm>>
    %dma_start3A_55 = tpu.memref_squeeze %dma_start3A_54 : memref<1x32x1024xf32, #tpu.memory_space<hbm>> -> memref<32x1024xf32, #tpu.memory_space<hbm>>
    tpu.enqueue_dma source(%dma_start3A_55 : memref<32x1024xf32, #tpu.memory_space<hbm>>) target(%dma_start3A_52 : memref<32x1024xf32, #tpu.memory_space<vmem>>) target_semaphore(%arg7 : memref<!tpu.dma_semaphore, #tpu.memory_space<semaphore_mem>>)
    %add3A_56 = arith.constant 32 : i32
    %add3A_57 = arith.addi %add3A_34, %add3A_56 : i32
    %dma_start3A_58 = arith.constant 1 : i32
    %dma_start3A_59 = arith.constant 0 : i32
    %dma_start3A_60 = arith.constant 0 : i32
    %dma_start3A_61 = tpu.memref_slice %arg4[%dma_start3A_58, %dma_start3A_59, %dma_start3A_60] : memref<2x32x1024xf32, #tpu.memory_space<vmem>> -> memref<1x32x1024xf32, #tpu.memory_space<vmem>>
    %dma_start3A_62 = tpu.memref_squeeze %dma_start3A_61 : memref<1x32x1024xf32, #tpu.memory_space<vmem>> -> memref<32x1024xf32, #tpu.memory_space<vmem>>
    %dma_start3A_63 = arith.constant 0 : i32
    %dma_start3A_64 = tpu.memref_slice %arg2[%add3A, %add3A_57, %dma_start3A_63] : memref<16x4096x1024xf32, #tpu.memory_space<hbm>> -> memref<1x32x1024xf32, #tpu.memory_space<hbm>>
    %dma_start3A_65 = tpu.memref_squeeze %dma_start3A_64 : memref<1x32x1024xf32, #tpu.memory_space<hbm>> -> memref<32x1024xf32, #tpu.memory_space<hbm>>
    %dma_start3A_66 = arith.constant 0 : i32
    %dma_start3A_67 = arith.constant 0 : i32
    %dma_start3A_68 = tpu.memref_slice %arg4[%dma_start3A_58, %dma_start3A_66, %dma_start3A_67] : memref<2x32x1024xf32, #tpu.memory_space<vmem>> -> memref<1x32x1024xf32, #tpu.memory_space<vmem>>
    %dma_start3A_69 = tpu.memref_squeeze %dma_start3A_68 : memref<1x32x1024xf32, #tpu.memory_space<vmem>> -> memref<32x1024xf32, #tpu.memory_space<vmem>>
    %dma_start3A_70 = arith.constant 0 : i32
    %dma_start3A_71 = tpu.memref_slice %arg2[%add3A, %add3A_57, %dma_start3A_70] : memref<16x4096x1024xf32, #tpu.memory_space<hbm>> -> memref<1x32x1024xf32, #tpu.memory_space<hbm>>
    %dma_start3A_72 = tpu.memref_squeeze %dma_start3A_71 : memref<1x32x1024xf32, #tpu.memory_space<hbm>> -> memref<32x1024xf32, #tpu.memory_space<hbm>>
    tpu.enqueue_dma source(%dma_start3A_72 : memref<32x1024xf32, #tpu.memory_space<hbm>>) target(%dma_start3A_69 : memref<32x1024xf32, #tpu.memory_space<vmem>>) target_semaphore(%arg8 : memref<!tpu.dma_semaphore, #tpu.memory_space<semaphore_mem>>)
    %scan3A_73 = arith.constant 0 : i32
    %scan3A_74 = arith.constant 4 : i32
    %scan3A_75 = arith.addi %scan3A_73, %scan3A_74 : i32
    %scan3A_76 = arith.constant 1 : i32
    scf.for %scan3A_81 = %scan3A_73 to %scan3A_75 step %scan3A_76  : i32 {
      %mul3A_82 = arith.constant 2 : i32
      %mul3A_83 = arith.muli %mul3A_82, %scan3A_81 : i32
      %add3A_84 = arith.constant 0 : i32
      %add3A_85 = arith.addi %mul3A_83, %add3A_84 : i32
      %dma_wait3A = arith.constant 0 : i32
      %dma_wait3A_86 = arith.constant 0 : i32
      %dma_wait3A_87 = arith.constant 0 : i32
      %dma_wait3A_88 = tpu.memref_slice %arg4[%dma_wait3A, %dma_wait3A_86, %dma_wait3A_87] : memref<2x32x1024xf32, #tpu.memory_space<vmem>> -> memref<1x32x1024xf32, #tpu.memory_space<vmem>>
      %dma_wait3A_89 = tpu.memref_squeeze %dma_wait3A_88 : memref<1x32x1024xf32, #tpu.memory_space<vmem>> -> memref<32x1024xf32, #tpu.memory_space<vmem>>
      %dma_wait3A_90 = arith.constant 0 : i32
      %dma_wait3A_91 = tpu.memref_slice %arg2[%add3A, %add3A_34, %dma_wait3A_90] : memref<16x4096x1024xf32, #tpu.memory_space<hbm>> -> memref<1x32x1024xf32, #tpu.memory_space<hbm>>
      %dma_wait3A_92 = tpu.memref_squeeze %dma_wait3A_91 : memref<1x32x1024xf32, #tpu.memory_space<hbm>> -> memref<32x1024xf32, #tpu.memory_space<hbm>>
      %dma_wait3A_93 = arith.constant 0 : i32
      %dma_wait3A_94 = arith.constant 0 : i32
      %dma_wait3A_95 = tpu.memref_slice %arg4[%dma_wait3A, %dma_wait3A_93, %dma_wait3A_94] : memref<2x32x1024xf32, #tpu.memory_space<vmem>> -> memref<1x32x1024xf32, #tpu.memory_space<vmem>>
      %dma_wait3A_96 = tpu.memref_squeeze %dma_wait3A_95 : memref<1x32x1024xf32, #tpu.memory_space<vmem>> -> memref<32x1024xf32, #tpu.memory_space<vmem>>
      %dma_wait3A_97 = arith.constant 0 : i32
      %dma_wait3A_98 = tpu.memref_slice %arg2[%add3A, %add3A_34, %dma_wait3A_97] : memref<16x4096x1024xf32, #tpu.memory_space<hbm>> -> memref<1x32x1024xf32, #tpu.memory_space<hbm>>
      %dma_wait3A_99 = tpu.memref_squeeze %dma_wait3A_98 : memref<1x32x1024xf32, #tpu.memory_space<hbm>> -> memref<32x1024xf32, #tpu.memory_space<hbm>>
      tpu.wait_dma2 semaphore(%arg7 : memref<!tpu.dma_semaphore, #tpu.memory_space<semaphore_mem>>) src(%dma_wait3A_99 : memref<32x1024xf32, #tpu.memory_space<hbm>>) dst(%dma_wait3A_96 : memref<32x1024xf32, #tpu.memory_space<vmem>>)
      %scan3A_100 = arith.constant 0 : i32
      %scan3A_101 = arith.constant 64 : i32
      %scan3A_102 = arith.addi %scan3A_100, %scan3A_101 : i32
      %scan3A_103 = arith.constant 1 : i32
      scf.for %scan3A_143 = %scan3A_100 to %scan3A_102 step %scan3A_103  : i32 {
        %mul3A_144 = arith.constant 16 : i32
        %mul3A_145 = arith.muli %scan3A_143, %mul3A_144 : i32
        %multiple_of3A = tpu.assume_multiple %mul3A_145, 16 : i32
        %get3A = arith.constant 0 : i32
        %get3A_146 = arith.constant 0 : i32
        %get3A_147 = arith.index_cast %get3A : i32 to index
        %get3A_148 = arith.index_cast %get3A_146 : i32 to index
        %get3A_149 = arith.index_cast %multiple_of3A : i32 to index
        %get3A_150 = tpu.vector_load %arg4[%get3A_147, %get3A_148, %get3A_149] {strides = array<i32>} : memref<2x32x1024xf32, #tpu.memory_space<vmem>>, vector<1x1x16xf32>,
        %get3A_151 = vector.shape_cast %get3A_150 : vector<1x1x16xf32> to vector<16xf32>
        %get3A_152 = arith.constant 0 : i32
        %get3A_153 = arith.constant 1 : i32
        %get3A_154 = arith.index_cast %get3A_152 : i32 to index
        %get3A_155 = arith.index_cast %get3A_153 : i32 to index
        %get3A_156 = arith.index_cast %multiple_of3A : i32 to index
        %get3A_157 = tpu.vector_load %arg4[%get3A_154, %get3A_155, %get3A_156] {strides = array<i32>} : memref<2x32x1024xf32, #tpu.memory_space<vmem>>, vector<1x1x16xf32>,
        %get3A_158 = vector.shape_cast %get3A_157 : vector<1x1x16xf32> to vector<16xf32>
        %get3A_159 = arith.constant 0 : i32
        %get3A_160 = arith.constant 2 : i32
        %get3A_161 = arith.index_cast %get3A_159 : i32 to index
        %get3A_162 = arith.index_cast %get3A_160 : i32 to index
        %get3A_163 = arith.index_cast %multiple_of3A : i32 to index
        %get3A_164 = tpu.vector_load %arg4[%get3A_161, %get3A_162, %get3A_163] {strides = array<i32>} : memref<2x32x1024xf32, #tpu.memory_space<vmem>>, vector<1x1x16xf32>,
        %get3A_165 = vector.shape_cast %get3A_164 : vector<1x1x16xf32> to vector<16xf32>
        %get3A_166 = arith.constant 0 : i32
        %get3A_167 = arith.constant 3 : i32
        %get3A_168 = arith.index_cast %get3A_166 : i32 to index
        %get3A_169 = arith.index_cast %get3A_167 : i32 to index
        %get3A_170 = arith.index_cast %multiple_of3A : i32 to index
        %get3A_171 = tpu.vector_load %arg4[%get3A_168, %get3A_169, %get3A_170] {strides = array<i32>} : memref<2x32x1024xf32, #tpu.memory_space<vmem>>, vector<1x1x16xf32>,
        %get3A_172 = vector.shape_cast %get3A_171 : vector<1x1x16xf32> to vector<16xf32>
        %get3A_173 = arith.constant 0 : i32
        %get3A_174 = arith.constant 4 : i32
        %get3A_175 = arith.index_cast %get3A_173 : i32 to index
        %get3A_176 = arith.index_cast %get3A_174 : i32 to index
        %get3A_177 = arith.index_cast %multiple_of3A : i32 to index
        %get3A_178 = tpu.vector_load %arg4[%get3A_175, %get3A_176, %get3A_177] {strides = array<i32>} : memref<2x32x1024xf32, #tpu.memory_space<vmem>>, vector<1x1x16xf32>,
        %get3A_179 = vector.shape_cast %get3A_178 : vector<1x1x16xf32> to vector<16xf32>
        %get3A_180 = arith.constant 0 : i32
        %get3A_181 = arith.constant 5 : i32
        %get3A_182 = arith.index_cast %get3A_180 : i32 to index
        %get3A_183 = arith.index_cast %get3A_181 : i32 to index
        %get3A_184 = arith.index_cast %multiple_of3A : i32 to index
        %get3A_185 = tpu.vector_load %arg4[%get3A_182, %get3A_183, %get3A_184] {strides = array<i32>} : memref<2x32x1024xf32, #tpu.memory_space<vmem>>, vector<1x1x16xf32>,
        %get3A_186 = vector.shape_cast %get3A_185 : vector<1x1x16xf32> to vector<16xf32>
        %get3A_187 = arith.constant 0 : i32
        %get3A_188 = arith.constant 6 : i32
        %get3A_189 = arith.index_cast %get3A_187 : i32 to index
        %get3A_190 = arith.index_cast %get3A_188 : i32 to index
        %get3A_191 = arith.index_cast %multiple_of3A : i32 to index
        %get3A_192 = tpu.vector_load %arg4[%get3A_189, %get3A_190, %get3A_191] {strides = array<i32>} : memref<2x32x1024xf32, #tpu.memory_space<vmem>>, vector<1x1x16xf32>,
        %get3A_193 = vector.shape_cast %get3A_192 : vector<1x1x16xf32> to vector<16xf32>
        %get3A_194 = arith.constant 0 : i32
        %get3A_195 = arith.constant 7 : i32
        %get3A_196 = arith.index_cast %get3A_194 : i32 to index
        %get3A_197 = arith.index_cast %get3A_195 : i32 to index
        %get3A_198 = arith.index_cast %multiple_of3A : i32 to index
        %get3A_199 = tpu.vector_load %arg4[%get3A_196, %get3A_197, %get3A_198] {strides = array<i32>} : memref<2x32x1024xf32, #tpu.memory_space<vmem>>, vector<1x1x16xf32>,
        %get3A_200 = vector.shape_cast %get3A_199 : vector<1x1x16xf32> to vector<16xf32>
        %get3A_201 = arith.constant 0 : i32
        %get3A_202 = arith.constant 8 : i32
        %get3A_203 = arith.index_cast %get3A_201 : i32 to index
        %get3A_204 = arith.index_cast %get3A_202 : i32 to index
        %get3A_205 = arith.index_cast %multiple_of3A : i32 to index
        %get3A_206 = tpu.vector_load %arg4[%get3A_203, %get3A_204, %get3A_205] {strides = array<i32>} : memref<2x32x1024xf32, #tpu.memory_space<vmem>>, vector<1x1x16xf32>,
        %get3A_207 = vector.shape_cast %get3A_206 : vector<1x1x16xf32> to vector<16xf32>
        %get3A_208 = arith.constant 0 : i32
        %get3A_209 = arith.constant 9 : i32
        %get3A_210 = arith.index_cast %get3A_208 : i32 to index
        %get3A_211 = arith.index_cast %get3A_209 : i32 to index
        %get3A_212 = arith.index_cast %multiple_of3A : i32 to index
        %get3A_213 = tpu.vector_load %arg4[%get3A_210, %get3A_211, %get3A_212] {strides = array<i32>} : memref<2x32x1024xf32, #tpu.memory_space<vmem>>, vector<1x1x16xf32>,
        %get3A_214 = vector.shape_cast %get3A_213 : vector<1x1x16xf32> to vector<16xf32>
        %get3A_215 = arith.constant 0 : i32
        %get3A_216 = arith.constant 10 : i32
        %get3A_217 = arith.index_cast %get3A_215 : i32 to index
        %get3A_218 = arith.index_cast %get3A_216 : i32 to index
        %get3A_219 = arith.index_cast %multiple_of3A : i32 to index
        %get3A_220 = tpu.vector_load %arg4[%get3A_217, %get3A_218, %get3A_219] {strides = array<i32>} : memref<2x32x1024xf32, #tpu.memory_space<vmem>>, vector<1x1x16xf32>,
        %get3A_221 = vector.shape_cast %get3A_220 : vector<1x1x16xf32> to vector<16xf32>
        %get3A_222 = arith.constant 0 : i32
        %get3A_223 = arith.constant 11 : i32
        %get3A_224 = arith.index_cast %get3A_222 : i32 to index
        %get3A_225 = arith.index_cast %get3A_223 : i32 to index
        %get3A_226 = arith.index_cast %multiple_of3A : i32 to index
        %get3A_227 = tpu.vector_load %arg4[%get3A_224, %get3A_225, %get3A_226] {strides = array<i32>} : memref<2x32x1024xf32, #tpu.memory_space<vmem>>, vector<1x1x16xf32>,
        %get3A_228 = vector.shape_cast %get3A_227 : vector<1x1x16xf32> to vector<16xf32>
        %get3A_229 = arith.constant 0 : i32
        %get3A_230 = arith.constant 12 : i32
        %get3A_231 = arith.index_cast %get3A_229 : i32 to index
        %get3A_232 = arith.index_cast %get3A_230 : i32 to index
        %get3A_233 = arith.index_cast %multiple_of3A : i32 to index
        %get3A_234 = tpu.vector_load %arg4[%get3A_231, %get3A_232, %get3A_233] {strides = array<i32>} : memref<2x32x1024xf32, #tpu.memory_space<vmem>>, vector<1x1x16xf32>,
        %get3A_235 = vector.shape_cast %get3A_234 : vector<1x1x16xf32> to vector<16xf32>
        %get3A_236 = arith.constant 0 : i32
        %get3A_237 = arith.constant 13 : i32
        %get3A_238 = arith.index_cast %get3A_236 : i32 to index
        %get3A_239 = arith.index_cast %get3A_237 : i32 to index
        %get3A_240 = arith.index_cast %multiple_of3A : i32 to index
        %get3A_241 = tpu.vector_load %arg4[%get3A_238, %get3A_239, %get3A_240] {strides = array<i32>} : memref<2x32x1024xf32, #tpu.memory_space<vmem>>, vector<1x1x16xf32>,
        %get3A_242 = vector.shape_cast %get3A_241 : vector<1x1x16xf32> to vector<16xf32>
        %get3A_243 = arith.constant 0 : i32
        %get3A_244 = arith.constant 14 : i32
        %get3A_245 = arith.index_cast %get3A_243 : i32 to index
        %get3A_246 = arith.index_cast %get3A_244 : i32 to index
        %get3A_247 = arith.index_cast %multiple_of3A : i32 to index
        %get3A_248 = tpu.vector_load %arg4[%get3A_245, %get3A_246, %get3A_247] {strides = array<i32>} : memref<2x32x1024xf32, #tpu.memory_space<vmem>>, vector<1x1x16xf32>,
        %get3A_249 = vector.shape_cast %get3A_248 : vector<1x1x16xf32> to vector<16xf32>
        %get3A_250 = arith.constant 0 : i32
        %get3A_251 = arith.constant 15 : i32
        %get3A_252 = arith.index_cast %get3A_250 : i32 to index
        %get3A_253 = arith.index_cast %get3A_251 : i32 to index
        %get3A_254 = arith.index_cast %multiple_of3A : i32 to index
        %get3A_255 = tpu.vector_load %arg4[%get3A_252, %get3A_253, %get3A_254] {strides = array<i32>} : memref<2x32x1024xf32, #tpu.memory_space<vmem>>, vector<1x1x16xf32>,
        %get3A_256 = vector.shape_cast %get3A_255 : vector<1x1x16xf32> to vector<16xf32>
        %get3A_257 = arith.constant 0 : i32
        %get3A_258 = arith.constant 16 : i32
        %get3A_259 = arith.index_cast %get3A_257 : i32 to index
        %get3A_260 = arith.index_cast %get3A_258 : i32 to index
        %get3A_261 = arith.index_cast %multiple_of3A : i32 to index
        %get3A_262 = tpu.vector_load %arg4[%get3A_259, %get3A_260, %get3A_261] {strides = array<i32>} : memref<2x32x1024xf32, #tpu.memory_space<vmem>>, vector<1x1x16xf32>,
        %get3A_263 = vector.shape_cast %get3A_262 : vector<1x1x16xf32> to vector<16xf32>
        %get3A_264 = arith.constant 0 : i32
        %get3A_265 = arith.constant 17 : i32
        %get3A_266 = arith.index_cast %get3A_264 : i32 to index
        %get3A_267 = arith.index_cast %get3A_265 : i32 to index
        %get3A_268 = arith.index_cast %multiple_of3A : i32 to index
        %get3A_269 = tpu.vector_load %arg4[%get3A_266, %get3A_267, %get3A_268] {strides = array<i32>} : memref<2x32x1024xf32, #tpu.memory_space<vmem>>, vector<1x1x16xf32>,
        %get3A_270 = vector.shape_cast %get3A_269 : vector<1x1x16xf32> to vector<16xf32>
        %get3A_271 = arith.constant 0 : i32
        %get3A_272 = arith.constant 18 : i32
        %get3A_273 = arith.index_cast %get3A_271 : i32 to index
        %get3A_274 = arith.index_cast %get3A_272 : i32 to index
        %get3A_275 = arith.index_cast %multiple_of3A : i32 to index
        %get3A_276 = tpu.vector_load %arg4[%get3A_273, %get3A_274, %get3A_275] {strides = array<i32>} : memref<2x32x1024xf32, #tpu.memory_space<vmem>>, vector<1x1x16xf32>,
        %get3A_277 = vector.shape_cast %get3A_276 : vector<1x1x16xf32> to vector<16xf32>
        %get3A_278 = arith.constant 0 : i32
        %get3A_279 = arith.constant 19 : i32
        %get3A_280 = arith.index_cast %get3A_278 : i32 to index
        %get3A_281 = arith.index_cast %get3A_279 : i32 to index
        %get3A_282 = arith.index_cast %multiple_of3A : i32 to index
        %get3A_283 = tpu.vector_load %arg4[%get3A_280, %get3A_281, %get3A_282] {strides = array<i32>} : memref<2x32x1024xf32, #tpu.memory_space<vmem>>, vector<1x1x16xf32>,
        %get3A_284 = vector.shape_cast %get3A_283 : vector<1x1x16xf32> to vector<16xf32>
        %get3A_285 = arith.constant 0 : i32
        %get3A_286 = arith.constant 20 : i32
        %get3A_287 = arith.index_cast %get3A_285 : i32 to index
        %get3A_288 = arith.index_cast %get3A_286 : i32 to index
        %get3A_289 = arith.index_cast %multiple_of3A : i32 to index
        %get3A_290 = tpu.vector_load %arg4[%get3A_287, %get3A_288, %get3A_289] {strides = array<i32>} : memref<2x32x1024xf32, #tpu.memory_space<vmem>>, vector<1x1x16xf32>,
        %get3A_291 = vector.shape_cast %get3A_290 : vector<1x1x16xf32> to vector<16xf32>
        %get3A_292 = arith.constant 0 : i32
        %get3A_293 = arith.constant 21 : i32
        %get3A_294 = arith.index_cast %get3A_292 : i32 to index
        %get3A_295 = arith.index_cast %get3A_293 : i32 to index
        %get3A_296 = arith.index_cast %multiple_of3A : i32 to index
        %get3A_297 = tpu.vector_load %arg4[%get3A_294, %get3A_295, %get3A_296] {strides = array<i32>} : memref<2x32x1024xf32, #tpu.memory_space<vmem>>, vector<1x1x16xf32>,
        %get3A_298 = vector.shape_cast %get3A_297 : vector<1x1x16xf32> to vector<16xf32>
        %get3A_299 = arith.constant 0 : i32
        %get3A_300 = arith.constant 22 : i32
        %get3A_301 = arith.index_cast %get3A_299 : i32 to index
        %get3A_302 = arith.index_cast %get3A_300 : i32 to index
        %get3A_303 = arith.index_cast %multiple_of3A : i32 to index
        %get3A_304 = tpu.vector_load %arg4[%get3A_301, %get3A_302, %get3A_303] {strides = array<i32>} : memref<2x32x1024xf32, #tpu.memory_space<vmem>>, vector<1x1x16xf32>,
        %get3A_305 = vector.shape_cast %get3A_304 : vector<1x1x16xf32> to vector<16xf32>
        %get3A_306 = arith.constant 0 : i32
        %get3A_307 = arith.constant 23 : i32
        %get3A_308 = arith.index_cast %get3A_306 : i32 to index
        %get3A_309 = arith.index_cast %get3A_307 : i32 to index
        %get3A_310 = arith.index_cast %multiple_of3A : i32 to index
        %get3A_311 = tpu.vector_load %arg4[%get3A_308, %get3A_309, %get3A_310] {strides = array<i32>} : memref<2x32x1024xf32, #tpu.memory_space<vmem>>, vector<1x1x16xf32>,
        %get3A_312 = vector.shape_cast %get3A_311 : vector<1x1x16xf32> to vector<16xf32>
        %get3A_313 = arith.constant 0 : i32
        %get3A_314 = arith.constant 24 : i32
        %get3A_315 = arith.index_cast %get3A_313 : i32 to index
        %get3A_316 = arith.index_cast %get3A_314 : i32 to index
        %get3A_317 = arith.index_cast %multiple_of3A : i32 to index
        %get3A_318 = tpu.vector_load %arg4[%get3A_315, %get3A_316, %get3A_317] {strides = array<i32>} : memref<2x32x1024xf32, #tpu.memory_space<vmem>>, vector<1x1x16xf32>,
        %get3A_319 = vector.shape_cast %get3A_318 : vector<1x1x16xf32> to vector<16xf32>
        %get3A_320 = arith.constant 0 : i32
        %get3A_321 = arith.constant 25 : i32
        %get3A_322 = arith.index_cast %get3A_320 : i32 to index
        %get3A_323 = arith.index_cast %get3A_321 : i32 to index
        %get3A_324 = arith.index_cast %multiple_of3A : i32 to index
        %get3A_325 = tpu.vector_load %arg4[%get3A_322, %get3A_323, %get3A_324] {strides = array<i32>} : memref<2x32x1024xf32, #tpu.memory_space<vmem>>, vector<1x1x16xf32>,
        %get3A_326 = vector.shape_cast %get3A_325 : vector<1x1x16xf32> to vector<16xf32>
        %get3A_327 = arith.constant 0 : i32
        %get3A_328 = arith.constant 26 : i32
        %get3A_329 = arith.index_cast %get3A_327 : i32 to index
        %get3A_330 = arith.index_cast %get3A_328 : i32 to index
        %get3A_331 = arith.index_cast %multiple_of3A : i32 to index
        %get3A_332 = tpu.vector_load %arg4[%get3A_329, %get3A_330, %get3A_331] {strides = array<i32>} : memref<2x32x1024xf32, #tpu.memory_space<vmem>>, vector<1x1x16xf32>,
        %get3A_333 = vector.shape_cast %get3A_332 : vector<1x1x16xf32> to vector<16xf32>
        %get3A_334 = arith.constant 0 : i32
        %get3A_335 = arith.constant 27 : i32
        %get3A_336 = arith.index_cast %get3A_334 : i32 to index
        %get3A_337 = arith.index_cast %get3A_335 : i32 to index
        %get3A_338 = arith.index_cast %multiple_of3A : i32 to index
        %get3A_339 = tpu.vector_load %arg4[%get3A_336, %get3A_337, %get3A_338] {strides = array<i32>} : memref<2x32x1024xf32, #tpu.memory_space<vmem>>, vector<1x1x16xf32>,
        %get3A_340 = vector.shape_cast %get3A_339 : vector<1x1x16xf32> to vector<16xf32>
        %get3A_341 = arith.constant 0 : i32
        %get3A_342 = arith.constant 28 : i32
        %get3A_343 = arith.index_cast %get3A_341 : i32 to index
        %get3A_344 = arith.index_cast %get3A_342 : i32 to index
        %get3A_345 = arith.index_cast %multiple_of3A : i32 to index
        %get3A_346 = tpu.vector_load %arg4[%get3A_343, %get3A_344, %get3A_345] {strides = array<i32>} : memref<2x32x1024xf32, #tpu.memory_space<vmem>>, vector<1x1x16xf32>,
        %get3A_347 = vector.shape_cast %get3A_346 : vector<1x1x16xf32> to vector<16xf32>
        %get3A_348 = arith.constant 0 : i32
        %get3A_349 = arith.constant 29 : i32
        %get3A_350 = arith.index_cast %get3A_348 : i32 to index
        %get3A_351 = arith.index_cast %get3A_349 : i32 to index
        %get3A_352 = arith.index_cast %multiple_of3A : i32 to index
        %get3A_353 = tpu.vector_load %arg4[%get3A_350, %get3A_351, %get3A_352] {strides = array<i32>} : memref<2x32x1024xf32, #tpu.memory_space<vmem>>, vector<1x1x16xf32>,
        %get3A_354 = vector.shape_cast %get3A_353 : vector<1x1x16xf32> to vector<16xf32>
        %get3A_355 = arith.constant 0 : i32
        %get3A_356 = arith.constant 30 : i32
        %get3A_357 = arith.index_cast %get3A_355 : i32 to index
        %get3A_358 = arith.index_cast %get3A_356 : i32 to index
        %get3A_359 = arith.index_cast %multiple_of3A : i32 to index
        %get3A_360 = tpu.vector_load %arg4[%get3A_357, %get3A_358, %get3A_359] {strides = array<i32>} : memref<2x32x1024xf32, #tpu.memory_space<vmem>>, vector<1x1x16xf32>,
        %get3A_361 = vector.shape_cast %get3A_360 : vector<1x1x16xf32> to vector<16xf32>
        %get3A_362 = arith.constant 0 : i32
        %get3A_363 = arith.constant 31 : i32
        %get3A_364 = arith.index_cast %get3A_362 : i32 to index
        %get3A_365 = arith.index_cast %get3A_363 : i32 to index
        %get3A_366 = arith.index_cast %multiple_of3A : i32 to index
        %get3A_367 = tpu.vector_load %arg4[%get3A_364, %get3A_365, %get3A_366] {strides = array<i32>} : memref<2x32x1024xf32, #tpu.memory_space<vmem>>, vector<1x1x16xf32>,
        %get3A_368 = vector.shape_cast %get3A_367 : vector<1x1x16xf32> to vector<16xf32>
        %add3A_369 = arith.addf %get3A_151, %get3A_158 : vector<16xf32>
        %add3A_370 = arith.addf %get3A_165, %get3A_172 : vector<16xf32>
        %add3A_371 = arith.addf %get3A_179, %get3A_186 : vector<16xf32>
        %add3A_372 = arith.addf %get3A_193, %get3A_200 : vector<16xf32>
        %add3A_373 = arith.addf %get3A_207, %get3A_214 : vector<16xf32>
        %add3A_374 = arith.addf %get3A_221, %get3A_228 : vector<16xf32>
        %add3A_375 = arith.addf %get3A_235, %get3A_242 : vector<16xf32>
        %add3A_376 = arith.addf %get3A_249, %get3A_256 : vector<16xf32>
        %add3A_377 = arith.addf %get3A_263, %get3A_270 : vector<16xf32>
        %add3A_378 = arith.addf %get3A_277, %get3A_284 : vector<16xf32>
        %add3A_379 = arith.addf %get3A_291, %get3A_298 : vector<16xf32>
        %add3A_380 = arith.addf %get3A_305, %get3A_312 : vector<16xf32>
        %add3A_381 = arith.addf %get3A_319, %get3A_326 : vector<16xf32>
        %add3A_382 = arith.addf %get3A_333, %get3A_340 : vector<16xf32>
        %add3A_383 = arith.addf %get3A_347, %get3A_354 : vector<16xf32>
        %add3A_384 = arith.addf %get3A_361, %get3A_368 : vector<16xf32>
        %add3A_385 = arith.addf %add3A_369, %add3A_370 : vector<16xf32>
        %add3A_386 = arith.addf %add3A_371, %add3A_372 : vector<16xf32>
        %add3A_387 = arith.addf %add3A_373, %add3A_374 : vector<16xf32>
        %add3A_388 = arith.addf %add3A_375, %add3A_376 : vector<16xf32>
        %add3A_389 = arith.addf %add3A_377, %add3A_378 : vector<16xf32>
        %add3A_390 = arith.addf %add3A_379, %add3A_380 : vector<16xf32>
        %add3A_391 = arith.addf %add3A_381, %add3A_382 : vector<16xf32>
        %add3A_392 = arith.addf %add3A_383, %add3A_384 : vector<16xf32>
        %add3A_393 = arith.addf %add3A_385, %add3A_386 : vector<16xf32>
        %add3A_394 = arith.addf %add3A_387, %add3A_388 : vector<16xf32>
        %add3A_395 = arith.addf %add3A_389, %add3A_390 : vector<16xf32>
        %add3A_396 = arith.addf %add3A_391, %add3A_392 : vector<16xf32>
        %add3A_397 = arith.addf %add3A_393, %add3A_394 : vector<16xf32>
        %add3A_398 = arith.addf %add3A_395, %add3A_396 : vector<16xf32>
        %add3A_399 = arith.addf %add3A_397, %add3A_398 : vector<16xf32>
        %get3A_400 = arith.index_cast %multiple_of3A : i32 to index
        %get3A_401 = tpu.vector_load %arg5[%get3A_400] {strides = array<i32>} : memref<1024xf32, #tpu.memory_space<vmem>>, vector<16xf32>,
        %get3A_402 = vector.shape_cast %get3A_401 : vector<16xf32> to vector<16xf32>
        %add3A_403 = arith.addf %get3A_402, %add3A_399 : vector<16xf32>
        %swap3A = arith.index_cast %multiple_of3A : i32 to index
        %swap3A_404 = tpu.vector_load %arg5[%swap3A] {strides = array<i32>} : memref<1024xf32, #tpu.memory_space<vmem>>, vector<16xf32>,
        %swap3A_405 = vector.shape_cast %swap3A_404 : vector<16xf32> to vector<16xf32>
        %swap3A_406 = vector.shape_cast %add3A_403 : vector<16xf32> to vector<16xf32>
        tpu.vector_store %arg5[%swap3A], %swap3A_406 {strides = array<i32>} : memref<1024xf32, #tpu.memory_space<vmem>>, vector<16xf32>,
      }
      %scan3A_104 = arith.constant 64 : i32
      %add3A_105 = arith.constant 2 : i32
      %add3A_106 = arith.addi %add3A_85, %add3A_105 : i32
      %lt3A_107 = arith.constant 8 : i32
      %lt3A_108 = arith.cmpi slt, %add3A_106, %lt3A_107 : i32
      %convert_element_type3A_109 = arith.extui %lt3A_108 : i1 to i32
      %cond3A_110 = arith.constant 0 : i32
      %cond3A_111 = arith.cmpi ne, %convert_element_type3A_109, %cond3A_110 : i32
      scf.if %cond3A_111 {
        %mul3A_143 = arith.constant 32 : i32
        %mul3A_144 = arith.muli %add3A_106, %mul3A_143 : i32
        %add3A_145 = arith.addi %add3A_34, %mul3A_144 : i32
        %dma_start3A_146 = arith.constant 0 : i32
        %dma_start3A_147 = arith.constant 0 : i32
        %dma_start3A_148 = arith.constant 0 : i32
        %dma_start3A_149 = tpu.memref_slice %arg4[%dma_start3A_146, %dma_start3A_147, %dma_start3A_148] : memref<2x32x1024xf32, #tpu.memory_space<vmem>> -> memref<1x32x1024xf32, #tpu.memory_space<vmem>>
        %dma_start3A_150 = tpu.memref_squeeze %dma_start3A_149 : memref<1x32x1024xf32, #tpu.memory_space<vmem>> -> memref<32x1024xf32, #tpu.memory_space<vmem>>
        %dma_start3A_151 = arith.constant 0 : i32
        %dma_start3A_152 = tpu.memref_slice %arg2[%add3A, %add3A_145, %dma_start3A_151] : memref<16x4096x1024xf32, #tpu.memory_space<hbm>> -> memref<1x32x1024xf32, #tpu.memory_space<hbm>>
        %dma_start3A_153 = tpu.memref_squeeze %dma_start3A_152 : memref<1x32x1024xf32, #tpu.memory_space<hbm>> -> memref<32x1024xf32, #tpu.memory_space<hbm>>
        %dma_start3A_154 = arith.constant 0 : i32
        %dma_start3A_155 = arith.constant 0 : i32
        %dma_start3A_156 = tpu.memref_slice %arg4[%dma_start3A_146, %dma_start3A_154, %dma_start3A_155] : memref<2x32x1024xf32, #tpu.memory_space<vmem>> -> memref<1x32x1024xf32, #tpu.memory_space<vmem>>
        %dma_start3A_157 = tpu.memref_squeeze %dma_start3A_156 : memref<1x32x1024xf32, #tpu.memory_space<vmem>> -> memref<32x1024xf32, #tpu.memory_space<vmem>>
        %dma_start3A_158 = arith.constant 0 : i32
        %dma_start3A_159 = tpu.memref_slice %arg2[%add3A, %add3A_145, %dma_start3A_158] : memref<16x4096x1024xf32, #tpu.memory_space<hbm>> -> memref<1x32x1024xf32, #tpu.memory_space<hbm>>
        %dma_start3A_160 = tpu.memref_squeeze %dma_start3A_159 : memref<1x32x1024xf32, #tpu.memory_space<hbm>> -> memref<32x1024xf32, #tpu.memory_space<hbm>>
        tpu.enqueue_dma source(%dma_start3A_160 : memref<32x1024xf32, #tpu.memory_space<hbm>>) target(%dma_start3A_157 : memref<32x1024xf32, #tpu.memory_space<vmem>>) target_semaphore(%arg7 : memref<!tpu.dma_semaphore, #tpu.memory_space<semaphore_mem>>)
      } else {
      }
      %mul3A_112 = arith.constant 2 : i32
      %mul3A_113 = arith.muli %mul3A_112, %scan3A_81 : i32
      %add3A_114 = arith.constant 1 : i32
      %add3A_115 = arith.addi %mul3A_113, %add3A_114 : i32
      %dma_wait3A_116 = arith.constant 1 : i32
      %dma_wait3A_117 = arith.constant 0 : i32
      %dma_wait3A_118 = arith.constant 0 : i32
      %dma_wait3A_119 = tpu.memref_slice %arg4[%dma_wait3A_116, %dma_wait3A_117, %dma_wait3A_118] : memref<2x32x1024xf32, #tpu.memory_space<vmem>> -> memref<1x32x1024xf32, #tpu.memory_space<vmem>>
      %dma_wait3A_120 = tpu.memref_squeeze %dma_wait3A_119 : memref<1x32x1024xf32, #tpu.memory_space<vmem>> -> memref<32x1024xf32, #tpu.memory_space<vmem>>
      %dma_wait3A_121 = arith.constant 0 : i32
      %dma_wait3A_122 = tpu.memref_slice %arg2[%add3A, %add3A_34, %dma_wait3A_121] : memref<16x4096x1024xf32, #tpu.memory_space<hbm>> -> memref<1x32x1024xf32, #tpu.memory_space<hbm>>
      %dma_wait3A_123 = tpu.memref_squeeze %dma_wait3A_122 : memref<1x32x1024xf32, #tpu.memory_space<hbm>> -> memref<32x1024xf32, #tpu.memory_space<hbm>>
      %dma_wait3A_124 = arith.constant 0 : i32
      %dma_wait3A_125 = arith.constant 0 : i32
      %dma_wait3A_126 = tpu.memref_slice %arg4[%dma_wait3A_116, %dma_wait3A_124, %dma_wait3A_125] : memref<2x32x1024xf32, #tpu.memory_space<vmem>> -> memref<1x32x1024xf32, #tpu.memory_space<vmem>>
      %dma_wait3A_127 = tpu.memref_squeeze %dma_wait3A_126 : memref<1x32x1024xf32, #tpu.memory_space<vmem>> -> memref<32x1024xf32, #tpu.memory_space<vmem>>
      %dma_wait3A_128 = arith.constant 0 : i32
      %dma_wait3A_129 = tpu.memref_slice %arg2[%add3A, %add3A_34, %dma_wait3A_128] : memref<16x4096x1024xf32, #tpu.memory_space<hbm>> -> memref<1x32x1024xf32, #tpu.memory_space<hbm>>
      %dma_wait3A_130 = tpu.memref_squeeze %dma_wait3A_129 : memref<1x32x1024xf32, #tpu.memory_space<hbm>> -> memref<32x1024xf32, #tpu.memory_space<hbm>>
      tpu.wait_dma2 semaphore(%arg8 : memref<!tpu.dma_semaphore, #tpu.memory_space<semaphore_mem>>) src(%dma_wait3A_130 : memref<32x1024xf32, #tpu.memory_space<hbm>>) dst(%dma_wait3A_127 : memref<32x1024xf32, #tpu.memory_space<vmem>>)
      %scan3A_131 = arith.constant 0 : i32
      %scan3A_132 = arith.constant 64 : i32
      %scan3A_133 = arith.addi %scan3A_131, %scan3A_132 : i32
      %scan3A_134 = arith.constant 1 : i32
      scf.for %scan3A_143 = %scan3A_131 to %scan3A_133 step %scan3A_134  : i32 {
        %mul3A_144 = arith.constant 16 : i32
        %mul3A_145 = arith.muli %scan3A_143, %mul3A_144 : i32
        %multiple_of3A = tpu.assume_multiple %mul3A_145, 16 : i32
        %get3A = arith.constant 1 : i32
        %get3A_146 = arith.constant 0 : i32
        %get3A_147 = arith.index_cast %get3A : i32 to index
        %get3A_148 = arith.index_cast %get3A_146 : i32 to index
        %get3A_149 = arith.index_cast %multiple_of3A : i32 to index
        %get3A_150 = tpu.vector_load %arg4[%get3A_147, %get3A_148, %get3A_149] {strides = array<i32>} : memref<2x32x1024xf32, #tpu.memory_space<vmem>>, vector<1x1x16xf32>,
        %get3A_151 = vector.shape_cast %get3A_150 : vector<1x1x16xf32> to vector<16xf32>
        %get3A_152 = arith.constant 1 : i32
        %get3A_153 = arith.constant 1 : i32
        %get3A_154 = arith.index_cast %get3A_152 : i32 to index
        %get3A_155 = arith.index_cast %get3A_153 : i32 to index
        %get3A_156 = arith.index_cast %multiple_of3A : i32 to index
        %get3A_157 = tpu.vector_load %arg4[%get3A_154, %get3A_155, %get3A_156] {strides = array<i32>} : memref<2x32x1024xf32, #tpu.memory_space<vmem>>, vector<1x1x16xf32>,
        %get3A_158 = vector.shape_cast %get3A_157 : vector<1x1x16xf32> to vector<16xf32>
        %get3A_159 = arith.constant 1 : i32
        %get3A_160 = arith.constant 2 : i32
        %get3A_161 = arith.index_cast %get3A_159 : i32 to index
        %get3A_162 = arith.index_cast %get3A_160 : i32 to index
        %get3A_163 = arith.index_cast %multiple_of3A : i32 to index
        %get3A_164 = tpu.vector_load %arg4[%get3A_161, %get3A_162, %get3A_163] {strides = array<i32>} : memref<2x32x1024xf32, #tpu.memory_space<vmem>>, vector<1x1x16xf32>,
        %get3A_165 = vector.shape_cast %get3A_164 : vector<1x1x16xf32> to vector<16xf32>
        %get3A_166 = arith.constant 1 : i32
        %get3A_167 = arith.constant 3 : i32
        %get3A_168 = arith.index_cast %get3A_166 : i32 to index
        %get3A_169 = arith.index_cast %get3A_167 : i32 to index
        %get3A_170 = arith.index_cast %multiple_of3A : i32 to index
        %get3A_171 = tpu.vector_load %arg4[%get3A_168, %get3A_169, %get3A_170] {strides = array<i32>} : memref<2x32x1024xf32, #tpu.memory_space<vmem>>, vector<1x1x16xf32>,
        %get3A_172 = vector.shape_cast %get3A_171 : vector<1x1x16xf32> to vector<16xf32>
        %get3A_173 = arith.constant 1 : i32
        %get3A_174 = arith.constant 4 : i32
        %get3A_175 = arith.index_cast %get3A_173 : i32 to index
        %get3A_176 = arith.index_cast %get3A_174 : i32 to index
        %get3A_177 = arith.index_cast %multiple_of3A : i32 to index
        %get3A_178 = tpu.vector_load %arg4[%get3A_175, %get3A_176, %get3A_177] {strides = array<i32>} : memref<2x32x1024xf32, #tpu.memory_space<vmem>>, vector<1x1x16xf32>,
        %get3A_179 = vector.shape_cast %get3A_178 : vector<1x1x16xf32> to vector<16xf32>
        %get3A_180 = arith.constant 1 : i32
        %get3A_181 = arith.constant 5 : i32
        %get3A_182 = arith.index_cast %get3A_180 : i32 to index
        %get3A_183 = arith.index_cast %get3A_181 : i32 to index
        %get3A_184 = arith.index_cast %multiple_of3A : i32 to index
        %get3A_185 = tpu.vector_load %arg4[%get3A_182, %get3A_183, %get3A_184] {strides = array<i32>} : memref<2x32x1024xf32, #tpu.memory_space<vmem>>, vector<1x1x16xf32>,
        %get3A_186 = vector.shape_cast %get3A_185 : vector<1x1x16xf32> to vector<16xf32>
        %get3A_187 = arith.constant 1 : i32
        %get3A_188 = arith.constant 6 : i32
        %get3A_189 = arith.index_cast %get3A_187 : i32 to index
        %get3A_190 = arith.index_cast %get3A_188 : i32 to index
        %get3A_191 = arith.index_cast %multiple_of3A : i32 to index
        %get3A_192 = tpu.vector_load %arg4[%get3A_189, %get3A_190, %get3A_191] {strides = array<i32>} : memref<2x32x1024xf32, #tpu.memory_space<vmem>>, vector<1x1x16xf32>,
        %get3A_193 = vector.shape_cast %get3A_192 : vector<1x1x16xf32> to vector<16xf32>
        %get3A_194 = arith.constant 1 : i32
        %get3A_195 = arith.constant 7 : i32
        %get3A_196 = arith.index_cast %get3A_194 : i32 to index
        %get3A_197 = arith.index_cast %get3A_195 : i32 to index
        %get3A_198 = arith.index_cast %multiple_of3A : i32 to index
        %get3A_199 = tpu.vector_load %arg4[%get3A_196, %get3A_197, %get3A_198] {strides = array<i32>} : memref<2x32x1024xf32, #tpu.memory_space<vmem>>, vector<1x1x16xf32>,
        %get3A_200 = vector.shape_cast %get3A_199 : vector<1x1x16xf32> to vector<16xf32>
        %get3A_201 = arith.constant 1 : i32
        %get3A_202 = arith.constant 8 : i32
        %get3A_203 = arith.index_cast %get3A_201 : i32 to index
        %get3A_204 = arith.index_cast %get3A_202 : i32 to index
        %get3A_205 = arith.index_cast %multiple_of3A : i32 to index
        %get3A_206 = tpu.vector_load %arg4[%get3A_203, %get3A_204, %get3A_205] {strides = array<i32>} : memref<2x32x1024xf32, #tpu.memory_space<vmem>>, vector<1x1x16xf32>,
        %get3A_207 = vector.shape_cast %get3A_206 : vector<1x1x16xf32> to vector<16xf32>
        %get3A_208 = arith.constant 1 : i32
        %get3A_209 = arith.constant 9 : i32
        %get3A_210 = arith.index_cast %get3A_208 : i32 to index
        %get3A_211 = arith.index_cast %get3A_209 : i32 to index
        %get3A_212 = arith.index_cast %multiple_of3A : i32 to index
        %get3A_213 = tpu.vector_load %arg4[%get3A_210, %get3A_211, %get3A_212] {strides = array<i32>} : memref<2x32x1024xf32, #tpu.memory_space<vmem>>, vector<1x1x16xf32>,
        %get3A_214 = vector.shape_cast %get3A_213 : vector<1x1x16xf32> to vector<16xf32>
        %get3A_215 = arith.constant 1 : i32
        %get3A_216 = arith.constant 10 : i32
        %get3A_217 = arith.index_cast %get3A_215 : i32 to index
        %get3A_218 = arith.index_cast %get3A_216 : i32 to index
        %get3A_219 = arith.index_cast %multiple_of3A : i32 to index
        %get3A_220 = tpu.vector_load %arg4[%get3A_217, %get3A_218, %get3A_219] {strides = array<i32>} : memref<2x32x1024xf32, #tpu.memory_space<vmem>>, vector<1x1x16xf32>,
        %get3A_221 = vector.shape_cast %get3A_220 : vector<1x1x16xf32> to vector<16xf32>
        %get3A_222 = arith.constant 1 : i32
        %get3A_223 = arith.constant 11 : i32
        %get3A_224 = arith.index_cast %get3A_222 : i32 to index
        %get3A_225 = arith.index_cast %get3A_223 : i32 to index
        %get3A_226 = arith.index_cast %multiple_of3A : i32 to index
        %get3A_227 = tpu.vector_load %arg4[%get3A_224, %get3A_225, %get3A_226] {strides = array<i32>} : memref<2x32x1024xf32, #tpu.memory_space<vmem>>, vector<1x1x16xf32>,
        %get3A_228 = vector.shape_cast %get3A_227 : vector<1x1x16xf32> to vector<16xf32>
        %get3A_229 = arith.constant 1 : i32
        %get3A_230 = arith.constant 12 : i32
        %get3A_231 = arith.index_cast %get3A_229 : i32 to index
        %get3A_232 = arith.index_cast %get3A_230 : i32 to index
        %get3A_233 = arith.index_cast %multiple_of3A : i32 to index
        %get3A_234 = tpu.vector_load %arg4[%get3A_231, %get3A_232, %get3A_233] {strides = array<i32>} : memref<2x32x1024xf32, #tpu.memory_space<vmem>>, vector<1x1x16xf32>,
        %get3A_235 = vector.shape_cast %get3A_234 : vector<1x1x16xf32> to vector<16xf32>
        %get3A_236 = arith.constant 1 : i32
        %get3A_237 = arith.constant 13 : i32
        %get3A_238 = arith.index_cast %get3A_236 : i32 to index
        %get3A_239 = arith.index_cast %get3A_237 : i32 to index
        %get3A_240 = arith.index_cast %multiple_of3A : i32 to index
        %get3A_241 = tpu.vector_load %arg4[%get3A_238, %get3A_239, %get3A_240] {strides = array<i32>} : memref<2x32x1024xf32, #tpu.memory_space<vmem>>, vector<1x1x16xf32>,
        %get3A_242 = vector.shape_cast %get3A_241 : vector<1x1x16xf32> to vector<16xf32>
        %get3A_243 = arith.constant 1 : i32
        %get3A_244 = arith.constant 14 : i32
        %get3A_245 = arith.index_cast %get3A_243 : i32 to index
        %get3A_246 = arith.index_cast %get3A_244 : i32 to index
        %get3A_247 = arith.index_cast %multiple_of3A : i32 to index
        %get3A_248 = tpu.vector_load %arg4[%get3A_245, %get3A_246, %get3A_247] {strides = array<i32>} : memref<2x32x1024xf32, #tpu.memory_space<vmem>>, vector<1x1x16xf32>,
        %get3A_249 = vector.shape_cast %get3A_248 : vector<1x1x16xf32> to vector<16xf32>
        %get3A_250 = arith.constant 1 : i32
        %get3A_251 = arith.constant 15 : i32
        %get3A_252 = arith.index_cast %get3A_250 : i32 to index
        %get3A_253 = arith.index_cast %get3A_251 : i32 to index
        %get3A_254 = arith.index_cast %multiple_of3A : i32 to index
        %get3A_255 = tpu.vector_load %arg4[%get3A_252, %get3A_253, %get3A_254] {strides = array<i32>} : memref<2x32x1024xf32, #tpu.memory_space<vmem>>, vector<1x1x16xf32>,
        %get3A_256 = vector.shape_cast %get3A_255 : vector<1x1x16xf32> to vector<16xf32>
        %get3A_257 = arith.constant 1 : i32
        %get3A_258 = arith.constant 16 : i32
        %get3A_259 = arith.index_cast %get3A_257 : i32 to index
        %get3A_260 = arith.index_cast %get3A_258 : i32 to index
        %get3A_261 = arith.index_cast %multiple_of3A : i32 to index
        %get3A_262 = tpu.vector_load %arg4[%get3A_259, %get3A_260, %get3A_261] {strides = array<i32>} : memref<2x32x1024xf32, #tpu.memory_space<vmem>>, vector<1x1x16xf32>,
        %get3A_263 = vector.shape_cast %get3A_262 : vector<1x1x16xf32> to vector<16xf32>
        %get3A_264 = arith.constant 1 : i32
        %get3A_265 = arith.constant 17 : i32
        %get3A_266 = arith.index_cast %get3A_264 : i32 to index
        %get3A_267 = arith.index_cast %get3A_265 : i32 to index
        %get3A_268 = arith.index_cast %multiple_of3A : i32 to index
        %get3A_269 = tpu.vector_load %arg4[%get3A_266, %get3A_267, %get3A_268] {strides = array<i32>} : memref<2x32x1024xf32, #tpu.memory_space<vmem>>, vector<1x1x16xf32>,
        %get3A_270 = vector.shape_cast %get3A_269 : vector<1x1x16xf32> to vector<16xf32>
        %get3A_271 = arith.constant 1 : i32
        %get3A_272 = arith.constant 18 : i32
        %get3A_273 = arith.index_cast %get3A_271 : i32 to index
        %get3A_274 = arith.index_cast %get3A_272 : i32 to index
        %get3A_275 = arith.index_cast %multiple_of3A : i32 to index
        %get3A_276 = tpu.vector_load %arg4[%get3A_273, %get3A_274, %get3A_275] {strides = array<i32>} : memref<2x32x1024xf32, #tpu.memory_space<vmem>>, vector<1x1x16xf32>,
        %get3A_277 = vector.shape_cast %get3A_276 : vector<1x1x16xf32> to vector<16xf32>
        %get3A_278 = arith.constant 1 : i32
        %get3A_279 = arith.constant 19 : i32
        %get3A_280 = arith.index_cast %get3A_278 : i32 to index
        %get3A_281 = arith.index_cast %get3A_279 : i32 to index
        %get3A_282 = arith.index_cast %multiple_of3A : i32 to index
        %get3A_283 = tpu.vector_load %arg4[%get3A_280, %get3A_281, %get3A_282] {strides = array<i32>} : memref<2x32x1024xf32, #tpu.memory_space<vmem>>, vector<1x1x16xf32>,
        %get3A_284 = vector.shape_cast %get3A_283 : vector<1x1x16xf32> to vector<16xf32>
        %get3A_285 = arith.constant 1 : i32
        %get3A_286 = arith.constant 20 : i32
        %get3A_287 = arith.index_cast %get3A_285 : i32 to index
        %get3A_288 = arith.index_cast %get3A_286 : i32 to index
        %get3A_289 = arith.index_cast %multiple_of3A : i32 to index
        %get3A_290 = tpu.vector_load %arg4[%get3A_287, %get3A_288, %get3A_289] {strides = array<i32>} : memref<2x32x1024xf32, #tpu.memory_space<vmem>>, vector<1x1x16xf32>,
        %get3A_291 = vector.shape_cast %get3A_290 : vector<1x1x16xf32> to vector<16xf32>
        %get3A_292 = arith.constant 1 : i32
        %get3A_293 = arith.constant 21 : i32
        %get3A_294 = arith.index_cast %get3A_292 : i32 to index
        %get3A_295 = arith.index_cast %get3A_293 : i32 to index
        %get3A_296 = arith.index_cast %multiple_of3A : i32 to index
        %get3A_297 = tpu.vector_load %arg4[%get3A_294, %get3A_295, %get3A_296] {strides = array<i32>} : memref<2x32x1024xf32, #tpu.memory_space<vmem>>, vector<1x1x16xf32>,
        %get3A_298 = vector.shape_cast %get3A_297 : vector<1x1x16xf32> to vector<16xf32>
        %get3A_299 = arith.constant 1 : i32
        %get3A_300 = arith.constant 22 : i32
        %get3A_301 = arith.index_cast %get3A_299 : i32 to index
        %get3A_302 = arith.index_cast %get3A_300 : i32 to index
        %get3A_303 = arith.index_cast %multiple_of3A : i32 to index
        %get3A_304 = tpu.vector_load %arg4[%get3A_301, %get3A_302, %get3A_303] {strides = array<i32>} : memref<2x32x1024xf32, #tpu.memory_space<vmem>>, vector<1x1x16xf32>,
        %get3A_305 = vector.shape_cast %get3A_304 : vector<1x1x16xf32> to vector<16xf32>
        %get3A_306 = arith.constant 1 : i32
        %get3A_307 = arith.constant 23 : i32
        %get3A_308 = arith.index_cast %get3A_306 : i32 to index
        %get3A_309 = arith.index_cast %get3A_307 : i32 to index
        %get3A_310 = arith.index_cast %multiple_of3A : i32 to index
        %get3A_311 = tpu.vector_load %arg4[%get3A_308, %get3A_309, %get3A_310] {strides = array<i32>} : memref<2x32x1024xf32, #tpu.memory_space<vmem>>, vector<1x1x16xf32>,
        %get3A_312 = vector.shape_cast %get3A_311 : vector<1x1x16xf32> to vector<16xf32>
        %get3A_313 = arith.constant 1 : i32
        %get3A_314 = arith.constant 24 : i32
        %get3A_315 = arith.index_cast %get3A_313 : i32 to index
        %get3A_316 = arith.index_cast %get3A_314 : i32 to index
        %get3A_317 = arith.index_cast %multiple_of3A : i32 to index
        %get3A_318 = tpu.vector_load %arg4[%get3A_315, %get3A_316, %get3A_317] {strides = array<i32>} : memref<2x32x1024xf32, #tpu.memory_space<vmem>>, vector<1x1x16xf32>,
        %get3A_319 = vector.shape_cast %get3A_318 : vector<1x1x16xf32> to vector<16xf32>
        %get3A_320 = arith.constant 1 : i32
        %get3A_321 = arith.constant 25 : i32
        %get3A_322 = arith.index_cast %get3A_320 : i32 to index
        %get3A_323 = arith.index_cast %get3A_321 : i32 to index
        %get3A_324 = arith.index_cast %multiple_of3A : i32 to index
        %get3A_325 = tpu.vector_load %arg4[%get3A_322, %get3A_323, %get3A_324] {strides = array<i32>} : memref<2x32x1024xf32, #tpu.memory_space<vmem>>, vector<1x1x16xf32>,
        %get3A_326 = vector.shape_cast %get3A_325 : vector<1x1x16xf32> to vector<16xf32>
        %get3A_327 = arith.constant 1 : i32
        %get3A_328 = arith.constant 26 : i32
        %get3A_329 = arith.index_cast %get3A_327 : i32 to index
        %get3A_330 = arith.index_cast %get3A_328 : i32 to index
        %get3A_331 = arith.index_cast %multiple_of3A : i32 to index
        %get3A_332 = tpu.vector_load %arg4[%get3A_329, %get3A_330, %get3A_331] {strides = array<i32>} : memref<2x32x1024xf32, #tpu.memory_space<vmem>>, vector<1x1x16xf32>,
        %get3A_333 = vector.shape_cast %get3A_332 : vector<1x1x16xf32> to vector<16xf32>
        %get3A_334 = arith.constant 1 : i32
        %get3A_335 = arith.constant 27 : i32
        %get3A_336 = arith.index_cast %get3A_334 : i32 to index
        %get3A_337 = arith.index_cast %get3A_335 : i32 to index
        %get3A_338 = arith.index_cast %multiple_of3A : i32 to index
        %get3A_339 = tpu.vector_load %arg4[%get3A_336, %get3A_337, %get3A_338] {strides = array<i32>} : memref<2x32x1024xf32, #tpu.memory_space<vmem>>, vector<1x1x16xf32>,
        %get3A_340 = vector.shape_cast %get3A_339 : vector<1x1x16xf32> to vector<16xf32>
        %get3A_341 = arith.constant 1 : i32
        %get3A_342 = arith.constant 28 : i32
        %get3A_343 = arith.index_cast %get3A_341 : i32 to index
        %get3A_344 = arith.index_cast %get3A_342 : i32 to index
        %get3A_345 = arith.index_cast %multiple_of3A : i32 to index
        %get3A_346 = tpu.vector_load %arg4[%get3A_343, %get3A_344, %get3A_345] {strides = array<i32>} : memref<2x32x1024xf32, #tpu.memory_space<vmem>>, vector<1x1x16xf32>,
        %get3A_347 = vector.shape_cast %get3A_346 : vector<1x1x16xf32> to vector<16xf32>
        %get3A_348 = arith.constant 1 : i32
        %get3A_349 = arith.constant 29 : i32
        %get3A_350 = arith.index_cast %get3A_348 : i32 to index
        %get3A_351 = arith.index_cast %get3A_349 : i32 to index
        %get3A_352 = arith.index_cast %multiple_of3A : i32 to index
        %get3A_353 = tpu.vector_load %arg4[%get3A_350, %get3A_351, %get3A_352] {strides = array<i32>} : memref<2x32x1024xf32, #tpu.memory_space<vmem>>, vector<1x1x16xf32>,
        %get3A_354 = vector.shape_cast %get3A_353 : vector<1x1x16xf32> to vector<16xf32>
        %get3A_355 = arith.constant 1 : i32
        %get3A_356 = arith.constant 30 : i32
        %get3A_357 = arith.index_cast %get3A_355 : i32 to index
        %get3A_358 = arith.index_cast %get3A_356 : i32 to index
        %get3A_359 = arith.index_cast %multiple_of3A : i32 to index
        %get3A_360 = tpu.vector_load %arg4[%get3A_357, %get3A_358, %get3A_359] {strides = array<i32>} : memref<2x32x1024xf32, #tpu.memory_space<vmem>>, vector<1x1x16xf32>,
        %get3A_361 = vector.shape_cast %get3A_360 : vector<1x1x16xf32> to vector<16xf32>
        %get3A_362 = arith.constant 1 : i32
        %get3A_363 = arith.constant 31 : i32
        %get3A_364 = arith.index_cast %get3A_362 : i32 to index
        %get3A_365 = arith.index_cast %get3A_363 : i32 to index
        %get3A_366 = arith.index_cast %multiple_of3A : i32 to index
        %get3A_367 = tpu.vector_load %arg4[%get3A_364, %get3A_365, %get3A_366] {strides = array<i32>} : memref<2x32x1024xf32, #tpu.memory_space<vmem>>, vector<1x1x16xf32>,
        %get3A_368 = vector.shape_cast %get3A_367 : vector<1x1x16xf32> to vector<16xf32>
        %add3A_369 = arith.addf %get3A_151, %get3A_158 : vector<16xf32>
        %add3A_370 = arith.addf %get3A_165, %get3A_172 : vector<16xf32>
        %add3A_371 = arith.addf %get3A_179, %get3A_186 : vector<16xf32>
        %add3A_372 = arith.addf %get3A_193, %get3A_200 : vector<16xf32>
        %add3A_373 = arith.addf %get3A_207, %get3A_214 : vector<16xf32>
        %add3A_374 = arith.addf %get3A_221, %get3A_228 : vector<16xf32>
        %add3A_375 = arith.addf %get3A_235, %get3A_242 : vector<16xf32>
        %add3A_376 = arith.addf %get3A_249, %get3A_256 : vector<16xf32>
        %add3A_377 = arith.addf %get3A_263, %get3A_270 : vector<16xf32>
        %add3A_378 = arith.addf %get3A_277, %get3A_284 : vector<16xf32>
        %add3A_379 = arith.addf %get3A_291, %get3A_298 : vector<16xf32>
        %add3A_380 = arith.addf %get3A_305, %get3A_312 : vector<16xf32>
        %add3A_381 = arith.addf %get3A_319, %get3A_326 : vector<16xf32>
        %add3A_382 = arith.addf %get3A_333, %get3A_340 : vector<16xf32>
        %add3A_383 = arith.addf %get3A_347, %get3A_354 : vector<16xf32>
        %add3A_384 = arith.addf %get3A_361, %get3A_368 : vector<16xf32>
        %add3A_385 = arith.addf %add3A_369, %add3A_370 : vector<16xf32>
        %add3A_386 = arith.addf %add3A_371, %add3A_372 : vector<16xf32>
        %add3A_387 = arith.addf %add3A_373, %add3A_374 : vector<16xf32>
        %add3A_388 = arith.addf %add3A_375, %add3A_376 : vector<16xf32>
        %add3A_389 = arith.addf %add3A_377, %add3A_378 : vector<16xf32>
        %add3A_390 = arith.addf %add3A_379, %add3A_380 : vector<16xf32>
        %add3A_391 = arith.addf %add3A_381, %add3A_382 : vector<16xf32>
        %add3A_392 = arith.addf %add3A_383, %add3A_384 : vector<16xf32>
        %add3A_393 = arith.addf %add3A_385, %add3A_386 : vector<16xf32>
        %add3A_394 = arith.addf %add3A_387, %add3A_388 : vector<16xf32>
        %add3A_395 = arith.addf %add3A_389, %add3A_390 : vector<16xf32>
        %add3A_396 = arith.addf %add3A_391, %add3A_392 : vector<16xf32>
        %add3A_397 = arith.addf %add3A_393, %add3A_394 : vector<16xf32>
        %add3A_398 = arith.addf %add3A_395, %add3A_396 : vector<16xf32>
        %add3A_399 = arith.addf %add3A_397, %add3A_398 : vector<16xf32>
        %get3A_400 = arith.index_cast %multiple_of3A : i32 to index
        %get3A_401 = tpu.vector_load %arg5[%get3A_400] {strides = array<i32>} : memref<1024xf32, #tpu.memory_space<vmem>>, vector<16xf32>,
        %get3A_402 = vector.shape_cast %get3A_401 : vector<16xf32> to vector<16xf32>
        %add3A_403 = arith.addf %get3A_402, %add3A_399 : vector<16xf32>
        %swap3A = arith.index_cast %multiple_of3A : i32 to index
        %swap3A_404 = tpu.vector_load %arg5[%swap3A] {strides = array<i32>} : memref<1024xf32, #tpu.memory_space<vmem>>, vector<16xf32>,
        %swap3A_405 = vector.shape_cast %swap3A_404 : vector<16xf32> to vector<16xf32>
        %swap3A_406 = vector.shape_cast %add3A_403 : vector<16xf32> to vector<16xf32>
        tpu.vector_store %arg5[%swap3A], %swap3A_406 {strides = array<i32>} : memref<1024xf32, #tpu.memory_space<vmem>>, vector<16xf32>,
      }
      %scan3A_135 = arith.constant 64 : i32
      %add3A_136 = arith.constant 2 : i32
      %add3A_137 = arith.addi %add3A_115, %add3A_136 : i32
      %lt3A_138 = arith.constant 8 : i32
      %lt3A_139 = arith.cmpi slt, %add3A_137, %lt3A_138 : i32
      %convert_element_type3A_140 = arith.extui %lt3A_139 : i1 to i32
      %cond3A_141 = arith.constant 0 : i32
      %cond3A_142 = arith.cmpi ne, %convert_element_type3A_140, %cond3A_141 : i32
      scf.if %cond3A_142 {
        %mul3A_143 = arith.constant 32 : i32
        %mul3A_144 = arith.muli %add3A_137, %mul3A_143 : i32
        %add3A_145 = arith.addi %add3A_34, %mul3A_144 : i32
        %dma_start3A_146 = arith.constant 1 : i32
        %dma_start3A_147 = arith.constant 0 : i32
        %dma_start3A_148 = arith.constant 0 : i32
        %dma_start3A_149 = tpu.memref_slice %arg4[%dma_start3A_146, %dma_start3A_147, %dma_start3A_148] : memref<2x32x1024xf32, #tpu.memory_space<vmem>> -> memref<1x32x1024xf32, #tpu.memory_space<vmem>>
        %dma_start3A_150 = tpu.memref_squeeze %dma_start3A_149 : memref<1x32x1024xf32, #tpu.memory_space<vmem>> -> memref<32x1024xf32, #tpu.memory_space<vmem>>
        %dma_start3A_151 = arith.constant 0 : i32
        %dma_start3A_152 = tpu.memref_slice %arg2[%add3A, %add3A_145, %dma_start3A_151] : memref<16x4096x1024xf32, #tpu.memory_space<hbm>> -> memref<1x32x1024xf32, #tpu.memory_space<hbm>>
        %dma_start3A_153 = tpu.memref_squeeze %dma_start3A_152 : memref<1x32x1024xf32, #tpu.memory_space<hbm>> -> memref<32x1024xf32, #tpu.memory_space<hbm>>
        %dma_start3A_154 = arith.constant 0 : i32
        %dma_start3A_155 = arith.constant 0 : i32
        %dma_start3A_156 = tpu.memref_slice %arg4[%dma_start3A_146, %dma_start3A_154, %dma_start3A_155] : memref<2x32x1024xf32, #tpu.memory_space<vmem>> -> memref<1x32x1024xf32, #tpu.memory_space<vmem>>
        %dma_start3A_157 = tpu.memref_squeeze %dma_start3A_156 : memref<1x32x1024xf32, #tpu.memory_space<vmem>> -> memref<32x1024xf32, #tpu.memory_space<vmem>>
        %dma_start3A_158 = arith.constant 0 : i32
        %dma_start3A_159 = tpu.memref_slice %arg2[%add3A, %add3A_145, %dma_start3A_158] : memref<16x4096x1024xf32, #tpu.memory_space<hbm>> -> memref<1x32x1024xf32, #tpu.memory_space<hbm>>
        %dma_start3A_160 = tpu.memref_squeeze %dma_start3A_159 : memref<1x32x1024xf32, #tpu.memory_space<hbm>> -> memref<32x1024xf32, #tpu.memory_space<hbm>>
        tpu.enqueue_dma source(%dma_start3A_160 : memref<32x1024xf32, #tpu.memory_space<hbm>>) target(%dma_start3A_157 : memref<32x1024xf32, #tpu.memory_space<vmem>>) target_semaphore(%arg8 : memref<!tpu.dma_semaphore, #tpu.memory_space<semaphore_mem>>)
      } else {
      }
    }
    %scan3A_77 = arith.constant 4 : i32
    "tpu.region"() ({
      %run_scoped3A = tpu.sem_alloc : memref<!tpu.dma_semaphore, #tpu.memory_space<semaphore_mem>>
      %dma_start3A_81 = arith.constant 0 : i32
      %dma_start3A_82 = tpu.memref_slice %arg6[%arg1, %dma_start3A_81] : memref<16x1024xf32, #tpu.memory_space<vmem_shared>> -> memref<1x1024xf32, #tpu.memory_space<vmem_shared>>
      %dma_start3A_83 = tpu.memref_squeeze %dma_start3A_82 : memref<1x1024xf32, #tpu.memory_space<vmem_shared>> -> memref<1024xf32, #tpu.memory_space<vmem_shared>>
      %dma_start3A_84 = arith.constant 0 : i32
      %dma_start3A_85 = tpu.memref_slice %arg6[%arg1, %dma_start3A_84] : memref<16x1024xf32, #tpu.memory_space<vmem_shared>> -> memref<1x1024xf32, #tpu.memory_space<vmem_shared>>
      %dma_start3A_86 = tpu.memref_squeeze %dma_start3A_85 : memref<1x1024xf32, #tpu.memory_space<vmem_shared>> -> memref<1024xf32, #tpu.memory_space<vmem_shared>>
      tpu.enqueue_dma source(%arg5 : memref<1024xf32, #tpu.memory_space<vmem>>) target(%dma_start3A_86 : memref<1024xf32, #tpu.memory_space<vmem_shared>>) target_semaphore(%run_scoped3A : memref<!tpu.dma_semaphore, #tpu.memory_space<semaphore_mem>>)
      %dma_wait3A = arith.constant 0 : i32
      %dma_wait3A_87 = tpu.memref_slice %arg6[%arg1, %dma_wait3A] : memref<16x1024xf32, #tpu.memory_space<vmem_shared>> -> memref<1x1024xf32, #tpu.memory_space<vmem_shared>>
      %dma_wait3A_88 = tpu.memref_squeeze %dma_wait3A_87 : memref<1x1024xf32, #tpu.memory_space<vmem_shared>> -> memref<1024xf32, #tpu.memory_space<vmem_shared>>
      %dma_wait3A_89 = arith.constant 0 : i32
      %dma_wait3A_90 = tpu.memref_slice %arg6[%arg1, %dma_wait3A_89] : memref<16x1024xf32, #tpu.memory_space<vmem_shared>> -> memref<1x1024xf32, #tpu.memory_space<vmem_shared>>
      %dma_wait3A_91 = tpu.memref_squeeze %dma_wait3A_90 : memref<1x1024xf32, #tpu.memory_space<vmem_shared>> -> memref<1024xf32, #tpu.memory_space<vmem_shared>>
      tpu.wait_dma2 semaphore(%run_scoped3A : memref<!tpu.dma_semaphore, #tpu.memory_space<semaphore_mem>>) src(%arg5 : memref<1024xf32, #tpu.memory_space<vmem>>) dst(%dma_wait3A_91 : memref<1024xf32, #tpu.memory_space<vmem_shared>>)
      tpu.yield
    }) : () -> ()
    %barrier3A = arith.constant 0 : index
    tpu.barrier barrier_id(%barrier3A)
    %lt3A_78 = arith.constant 8 : i32
    %lt3A_79 = arith.cmpi slt, %arg1, %lt3A_78 : i32
    %convert_element_type3A = arith.extui %lt3A_79 : i1 to i32
    %cond3A = arith.constant 0 : i32
    %cond3A_80 = arith.cmpi ne, %convert_element_type3A, %cond3A : i32
    scf.if %cond3A_80 {
      %mul3A_81 = arith.constant 2 : i32
      %mul3A_82 = arith.muli %mul3A_81, %arg1 : i32
      %run_scoped3A = arith.constant 0 : i32
      %run_scoped3A_83 = arith.constant 0 : i32
      "tpu.region"() ({
        %run_scoped3A_98 = tpu.sem_alloc : memref<!tpu.dma_semaphore, #tpu.memory_space<semaphore_mem>>
        %dma_start3A_99 = arith.constant 0 : i32
        %dma_start3A_100 = tpu.memref_slice %arg4[%run_scoped3A, %run_scoped3A_83, %dma_start3A_99] : memref<2x32x1024xf32, #tpu.memory_space<vmem>> -> memref<1x1x1024xf32, #tpu.memory_space<vmem>>
        %dma_start3A_101 = tpu.memref_squeeze %dma_start3A_100 : memref<1x1x1024xf32, #tpu.memory_space<vmem>> -> memref<1024xf32, #tpu.memory_space<vmem>>
        %dma_start3A_102 = arith.constant 0 : i32
        %dma_start3A_103 = tpu.memref_slice %arg6[%mul3A_82, %dma_start3A_102] : memref<16x1024xf32, #tpu.memory_space<vmem_shared>> -> memref<1x1024xf32, #tpu.memory_space<vmem_shared>>
        %dma_start3A_104 = tpu.memref_squeeze %dma_start3A_103 : memref<1x1024xf32, #tpu.memory_space<vmem_shared>> -> memref<1024xf32, #tpu.memory_space<vmem_shared>>
        %dma_start3A_105 = arith.constant 0 : i32
        %dma_start3A_106 = tpu.memref_slice %arg4[%run_scoped3A, %run_scoped3A_83, %dma_start3A_105] : memref<2x32x1024xf32, #tpu.memory_space<vmem>> -> memref<1x1x1024xf32, #tpu.memory_space<vmem>>
        %dma_start3A_107 = tpu.memref_squeeze %dma_start3A_106 : memref<1x1x1024xf32, #tpu.memory_space<vmem>> -> memref<1024xf32, #tpu.memory_space<vmem>>
        %dma_start3A_108 = arith.constant 0 : i32
        %dma_start3A_109 = tpu.memref_slice %arg6[%mul3A_82, %dma_start3A_108] : memref<16x1024xf32, #tpu.memory_space<vmem_shared>> -> memref<1x1024xf32, #tpu.memory_space<vmem_shared>>
        %dma_start3A_110 = tpu.memref_squeeze %dma_start3A_109 : memref<1x1024xf32, #tpu.memory_space<vmem_shared>> -> memref<1024xf32, #tpu.memory_space<vmem_shared>>
        tpu.enqueue_dma source(%dma_start3A_110 : memref<1024xf32, #tpu.memory_space<vmem_shared>>) target(%dma_start3A_107 : memref<1024xf32, #tpu.memory_space<vmem>>) target_semaphore(%run_scoped3A_98 : memref<!tpu.dma_semaphore, #tpu.memory_space<semaphore_mem>>)
        %dma_wait3A = arith.constant 0 : i32
        %dma_wait3A_111 = tpu.memref_slice %arg4[%run_scoped3A, %run_scoped3A_83, %dma_wait3A] : memref<2x32x1024xf32, #tpu.memory_space<vmem>> -> memref<1x1x1024xf32, #tpu.memory_space<vmem>>
        %dma_wait3A_112 = tpu.memref_squeeze %dma_wait3A_111 : memref<1x1x1024xf32, #tpu.memory_space<vmem>> -> memref<1024xf32, #tpu.memory_space<vmem>>
        %dma_wait3A_113 = arith.constant 0 : i32
        %dma_wait3A_114 = tpu.memref_slice %arg6[%mul3A_82, %dma_wait3A_113] : memref<16x1024xf32, #tpu.memory_space<vmem_shared>> -> memref<1x1024xf32, #tpu.memory_space<vmem_shared>>
        %dma_wait3A_115 = tpu.memref_squeeze %dma_wait3A_114 : memref<1x1024xf32, #tpu.memory_space<vmem_shared>> -> memref<1024xf32, #tpu.memory_space<vmem_shared>>
        %dma_wait3A_116 = arith.constant 0 : i32
        %dma_wait3A_117 = tpu.memref_slice %arg4[%run_scoped3A, %run_scoped3A_83, %dma_wait3A_116] : memref<2x32x1024xf32, #tpu.memory_space<vmem>> -> memref<1x1x1024xf32, #tpu.memory_space<vmem>>
        %dma_wait3A_118 = tpu.memref_squeeze %dma_wait3A_117 : memref<1x1x1024xf32, #tpu.memory_space<vmem>> -> memref<1024xf32, #tpu.memory_space<vmem>>
        %dma_wait3A_119 = arith.constant 0 : i32
        %dma_wait3A_120 = tpu.memref_slice %arg6[%mul3A_82, %dma_wait3A_119] : memref<16x1024xf32, #tpu.memory_space<vmem_shared>> -> memref<1x1024xf32, #tpu.memory_space<vmem_shared>>
        %dma_wait3A_121 = tpu.memref_squeeze %dma_wait3A_120 : memref<1x1024xf32, #tpu.memory_space<vmem_shared>> -> memref<1024xf32, #tpu.memory_space<vmem_shared>>
        tpu.wait_dma2 semaphore(%run_scoped3A_98 : memref<!tpu.dma_semaphore, #tpu.memory_space<semaphore_mem>>) src(%dma_wait3A_121 : memref<1024xf32, #tpu.memory_space<vmem_shared>>) dst(%dma_wait3A_118 : memref<1024xf32, #tpu.memory_space<vmem>>)
        tpu.yield
      }) : () -> ()
      %mul3A_84 = arith.constant 2 : i32
      %mul3A_85 = arith.muli %mul3A_84, %arg1 : i32
      %add3A_86 = arith.constant 1 : i32
      %add3A_87 = arith.addi %mul3A_85, %add3A_86 : i32
      %run_scoped3A_88 = arith.constant 0 : i32
      %run_scoped3A_89 = arith.constant 1 : i32
      "tpu.region"() ({
        %run_scoped3A_98 = tpu.sem_alloc : memref<!tpu.dma_semaphore, #tpu.memory_space<semaphore_mem>>
        %dma_start3A_99 = arith.constant 0 : i32
        %dma_start3A_100 = tpu.memref_slice %arg4[%run_scoped3A_88, %run_scoped3A_89, %dma_start3A_99] : memref<2x32x1024xf32, #tpu.memory_space<vmem>> -> memref<1x1x1024xf32, #tpu.memory_space<vmem>>
        %dma_start3A_101 = tpu.memref_squeeze %dma_start3A_100 : memref<1x1x1024xf32, #tpu.memory_space<vmem>> -> memref<1024xf32, #tpu.memory_space<vmem>>
        %dma_start3A_102 = arith.constant 0 : i32
        %dma_start3A_103 = tpu.memref_slice %arg6[%add3A_87, %dma_start3A_102] : memref<16x1024xf32, #tpu.memory_space<vmem_shared>> -> memref<1x1024xf32, #tpu.memory_space<vmem_shared>>
        %dma_start3A_104 = tpu.memref_squeeze %dma_start3A_103 : memref<1x1024xf32, #tpu.memory_space<vmem_shared>> -> memref<1024xf32, #tpu.memory_space<vmem_shared>>
        %dma_start3A_105 = arith.constant 0 : i32
        %dma_start3A_106 = tpu.memref_slice %arg4[%run_scoped3A_88, %run_scoped3A_89, %dma_start3A_105] : memref<2x32x1024xf32, #tpu.memory_space<vmem>> -> memref<1x1x1024xf32, #tpu.memory_space<vmem>>
        %dma_start3A_107 = tpu.memref_squeeze %dma_start3A_106 : memref<1x1x1024xf32, #tpu.memory_space<vmem>> -> memref<1024xf32, #tpu.memory_space<vmem>>
        %dma_start3A_108 = arith.constant 0 : i32
        %dma_start3A_109 = tpu.memref_slice %arg6[%add3A_87, %dma_start3A_108] : memref<16x1024xf32, #tpu.memory_space<vmem_shared>> -> memref<1x1024xf32, #tpu.memory_space<vmem_shared>>
        %dma_start3A_110 = tpu.memref_squeeze %dma_start3A_109 : memref<1x1024xf32, #tpu.memory_space<vmem_shared>> -> memref<1024xf32, #tpu.memory_space<vmem_shared>>
        tpu.enqueue_dma source(%dma_start3A_110 : memref<1024xf32, #tpu.memory_space<vmem_shared>>) target(%dma_start3A_107 : memref<1024xf32, #tpu.memory_space<vmem>>) target_semaphore(%run_scoped3A_98 : memref<!tpu.dma_semaphore, #tpu.memory_space<semaphore_mem>>)
        %dma_wait3A = arith.constant 0 : i32
        %dma_wait3A_111 = tpu.memref_slice %arg4[%run_scoped3A_88, %run_scoped3A_89, %dma_wait3A] : memref<2x32x1024xf32, #tpu.memory_space<vmem>> -> memref<1x1x1024xf32, #tpu.memory_space<vmem>>
        %dma_wait3A_112 = tpu.memref_squeeze %dma_wait3A_111 : memref<1x1x1024xf32, #tpu.memory_space<vmem>> -> memref<1024xf32, #tpu.memory_space<vmem>>
        %dma_wait3A_113 = arith.constant 0 : i32
        %dma_wait3A_114 = tpu.memref_slice %arg6[%add3A_87, %dma_wait3A_113] : memref<16x1024xf32, #tpu.memory_space<vmem_shared>> -> memref<1x1024xf32, #tpu.memory_space<vmem_shared>>
        %dma_wait3A_115 = tpu.memref_squeeze %dma_wait3A_114 : memref<1x1024xf32, #tpu.memory_space<vmem_shared>> -> memref<1024xf32, #tpu.memory_space<vmem_shared>>
        %dma_wait3A_116 = arith.constant 0 : i32
        %dma_wait3A_117 = tpu.memref_slice %arg4[%run_scoped3A_88, %run_scoped3A_89, %dma_wait3A_116] : memref<2x32x1024xf32, #tpu.memory_space<vmem>> -> memref<1x1x1024xf32, #tpu.memory_space<vmem>>
        %dma_wait3A_118 = tpu.memref_squeeze %dma_wait3A_117 : memref<1x1x1024xf32, #tpu.memory_space<vmem>> -> memref<1024xf32, #tpu.memory_space<vmem>>
        %dma_wait3A_119 = arith.constant 0 : i32
        %dma_wait3A_120 = tpu.memref_slice %arg6[%add3A_87, %dma_wait3A_119] : memref<16x1024xf32, #tpu.memory_space<vmem_shared>> -> memref<1x1024xf32, #tpu.memory_space<vmem_shared>>
        %dma_wait3A_121 = tpu.memref_squeeze %dma_wait3A_120 : memref<1x1024xf32, #tpu.memory_space<vmem_shared>> -> memref<1024xf32, #tpu.memory_space<vmem_shared>>
        tpu.wait_dma2 semaphore(%run_scoped3A_98 : memref<!tpu.dma_semaphore, #tpu.memory_space<semaphore_mem>>) src(%dma_wait3A_121 : memref<1024xf32, #tpu.memory_space<vmem_shared>>) dst(%dma_wait3A_118 : memref<1024xf32, #tpu.memory_space<vmem>>)
        tpu.yield
      }) : () -> ()
      %scan3A_90 = arith.constant 0 : i32
      %scan3A_91 = arith.constant 64 : i32
      %scan3A_92 = arith.addi %scan3A_90, %scan3A_91 : i32
      %scan3A_93 = arith.constant 1 : i32
      scf.for %scan3A_98 = %scan3A_90 to %scan3A_92 step %scan3A_93  : i32 {
        %mul3A_99 = arith.constant 16 : i32
        %mul3A_100 = arith.muli %scan3A_98, %mul3A_99 : i32
        %multiple_of3A = tpu.assume_multiple %mul3A_100, 16 : i32
        %get3A = arith.constant 0 : i32
        %get3A_101 = arith.constant 0 : i32
        %get3A_102 = arith.index_cast %get3A : i32 to index
        %get3A_103 = arith.index_cast %get3A_101 : i32 to index
        %get3A_104 = arith.index_cast %multiple_of3A : i32 to index
        %get3A_105 = tpu.vector_load %arg4[%get3A_102, %get3A_103, %get3A_104] {strides = array<i32>} : memref<2x32x1024xf32, #tpu.memory_space<vmem>>, vector<1x1x16xf32>,
        %get3A_106 = vector.shape_cast %get3A_105 : vector<1x1x16xf32> to vector<16xf32>
        %get3A_107 = arith.constant 0 : i32
        %get3A_108 = arith.constant 1 : i32
        %get3A_109 = arith.index_cast %get3A_107 : i32 to index
        %get3A_110 = arith.index_cast %get3A_108 : i32 to index
        %get3A_111 = arith.index_cast %multiple_of3A : i32 to index
        %get3A_112 = tpu.vector_load %arg4[%get3A_109, %get3A_110, %get3A_111] {strides = array<i32>} : memref<2x32x1024xf32, #tpu.memory_space<vmem>>, vector<1x1x16xf32>,
        %get3A_113 = vector.shape_cast %get3A_112 : vector<1x1x16xf32> to vector<16xf32>
        %add3A_114 = arith.addf %get3A_106, %get3A_113 : vector<16xf32>
        %swap3A = arith.index_cast %multiple_of3A : i32 to index
        %swap3A_115 = tpu.vector_load %arg5[%swap3A] {strides = array<i32>} : memref<1024xf32, #tpu.memory_space<vmem>>, vector<16xf32>,
        %swap3A_116 = vector.shape_cast %swap3A_115 : vector<16xf32> to vector<16xf32>
        %swap3A_117 = vector.shape_cast %add3A_114 : vector<16xf32> to vector<16xf32>
        tpu.vector_store %arg5[%swap3A], %swap3A_117 {strides = array<i32>} : memref<1024xf32, #tpu.memory_space<vmem>>, vector<16xf32>,
      }
      %scan3A_94 = arith.constant 64 : i32
      %mul3A_95 = arith.constant 8 : i32
      %mul3A_96 = arith.muli %arg0, %mul3A_95 : i32
      %add3A_97 = arith.addi %mul3A_96, %arg1 : i32
      "tpu.region"() ({
        %run_scoped3A_98 = tpu.sem_alloc : memref<!tpu.dma_semaphore, #tpu.memory_space<semaphore_mem>>
        %dma_start3A_99 = arith.constant 0 : i32
        %dma_start3A_100 = tpu.memref_slice %arg3[%add3A_97, %dma_start3A_99] : memref<16x1024xf32, #tpu.memory_space<hbm>> -> memref<1x1024xf32, #tpu.memory_space<hbm>>
        %dma_start3A_101 = tpu.memref_squeeze %dma_start3A_100 : memref<1x1024xf32, #tpu.memory_space<hbm>> -> memref<1024xf32, #tpu.memory_space<hbm>>
        %dma_start3A_102 = arith.constant 0 : i32
        %dma_start3A_103 = tpu.memref_slice %arg3[%add3A_97, %dma_start3A_102] : memref<16x1024xf32, #tpu.memory_space<hbm>> -> memref<1x1024xf32, #tpu.memory_space<hbm>>
        %dma_start3A_104 = tpu.memref_squeeze %dma_start3A_103 : memref<1x1024xf32, #tpu.memory_space<hbm>> -> memref<1024xf32, #tpu.memory_space<hbm>>
        tpu.enqueue_dma source(%arg5 : memref<1024xf32, #tpu.memory_space<vmem>>) target(%dma_start3A_104 : memref<1024xf32, #tpu.memory_space<hbm>>) target_semaphore(%run_scoped3A_98 : memref<!tpu.dma_semaphore, #tpu.memory_space<semaphore_mem>>)
        %dma_wait3A = arith.constant 0 : i32
        %dma_wait3A_105 = tpu.memref_slice %arg3[%add3A_97, %dma_wait3A] : memref<16x1024xf32, #tpu.memory_space<hbm>> -> memref<1x1024xf32, #tpu.memory_space<hbm>>
        %dma_wait3A_106 = tpu.memref_squeeze %dma_wait3A_105 : memref<1x1024xf32, #tpu.memory_space<hbm>> -> memref<1024xf32, #tpu.memory_space<hbm>>
        %dma_wait3A_107 = arith.constant 0 : i32
        %dma_wait3A_108 = tpu.memref_slice %arg3[%add3A_97, %dma_wait3A_107] : memref<16x1024xf32, #tpu.memory_space<hbm>> -> memref<1x1024xf32, #tpu.memory_space<hbm>>
        %dma_wait3A_109 = tpu.memref_squeeze %dma_wait3A_108 : memref<1x1024xf32, #tpu.memory_space<hbm>> -> memref<1024xf32, #tpu.memory_space<hbm>>
        tpu.wait_dma2 semaphore(%run_scoped3A_98 : memref<!tpu.dma_semaphore, #tpu.memory_space<semaphore_mem>>) src(%arg5 : memref<1024xf32, #tpu.memory_space<vmem>>) dst(%dma_wait3A_109 : memref<1024xf32, #tpu.memory_space<hbm>>)
        tpu.yield
      }) : () -> ()
    } else {
    }
    return
  }
}

module attributes {stable_mosaic.version = 14 : i64} {
  func.func @_tc_sum_kernel(%arg0: i32, %arg1: i32, %arg2: memref<1x1792x1024xf32, #tpu.memory_space<vmem>>, %arg3: memref<1x1x1024xf32, #tpu.memory_space<vmem>>) attributes {dimension_semantics = [#tpu.dimension_semantics<parallel>, #tpu.dimension_semantics<arbitrary>], iteration_bounds = array<i64: 16, 2>, scalar_prefetch = 0 : i64, scratch_operands = 0 : i64, tpu.core_type = #tpu.core_type<tc>, window_params = [{transform_indices = @transform_0, window_bounds = array<i64: 1, 1792, 1024>}, {transform_indices = @transform_1, window_bounds = array<i64: 1, 1, 1024>}]} {
    %eq3A = arith.constant 0 : i32
    %eq3A_0 = arith.cmpi eq, %arg1, %eq3A : i32
    %convert_element_type3A = arith.extui %eq3A_0 : i1 to i32
    %cond3A = arith.constant 0 : i32
    %cond3A_1 = arith.cmpi ne, %convert_element_type3A, %cond3A : i32
    scf.if %cond3A_1 {
      %broadcast_in_dim3A_13 = arith.constant 0.000000e+00 : f32
      %broadcast_in_dim3A_14 = vector.broadcast %broadcast_in_dim3A_13 : f32 to vector<1x1x1024xf32>
      %swap3A_15 = arith.constant 0 : index
      %swap3A_16 = arith.constant 0 : index
      %swap3A_17 = arith.constant 0 : index
      %swap3A_18 = vector.load %arg3[%swap3A_15, %swap3A_16, %swap3A_17] : memref<1x1x1024xf32, #tpu.memory_space<vmem>>, vector<1x1x1024xf32>
      tpu.vector_store %arg3[%swap3A_15, %swap3A_16, %swap3A_17], %broadcast_in_dim3A_14 {strides = array<i32>} : memref<1x1x1024xf32, #tpu.memory_space<vmem>>, vector<1x1x1024xf32>,
    } else {
    }
    %get3A = arith.constant 0 : index
    %get3A_2 = arith.constant 0 : index
    %get3A_3 = arith.constant 0 : index
    %get3A_4 = vector.load %arg3[%get3A, %get3A_2, %get3A_3] : memref<1x1x1024xf32, #tpu.memory_space<vmem>>, vector<1x1x1024xf32>
    %get3A_5 = arith.constant 0 : index
    %get3A_6 = arith.constant 0 : index
    %get3A_7 = arith.constant 0 : index
    %get3A_8 = vector.load %arg2[%get3A_5, %get3A_6, %get3A_7] : memref<1x1792x1024xf32, #tpu.memory_space<vmem>>, vector<1x1792x1024xf32>
    %reduce_sum3A = arith.constant dense<0.000000e+00> : vector<1x1024xf32>
    %reduce_sum3A_9 = vector.multi_reduction <add>, %get3A_8, %reduce_sum3A [1] : vector<1x1792x1024xf32> to vector<1x1024xf32>
    %broadcast_in_dim3A = vector.shape_cast %reduce_sum3A_9 : vector<1x1024xf32> to vector<1x1x1024xf32>
    %add3A = arith.addf %get3A_4, %broadcast_in_dim3A : vector<1x1x1024xf32>
    %swap3A = arith.constant 0 : index
    %swap3A_10 = arith.constant 0 : index
    %swap3A_11 = arith.constant 0 : index
    %swap3A_12 = vector.load %arg3[%swap3A, %swap3A_10, %swap3A_11] : memref<1x1x1024xf32, #tpu.memory_space<vmem>>, vector<1x1x1024xf32>
    tpu.vector_store %arg3[%swap3A, %swap3A_10, %swap3A_11], %add3A {strides = array<i32>} : memref<1x1x1024xf32, #tpu.memory_space<vmem>>, vector<1x1x1024xf32>,
    return
  }
  func.func @transform_0(%arg0: i32, %arg1: i32) -> (i32, i32, i32) {
    %c0_i32 = arith.constant 0 : i32
    %c0_i32_0 = arith.constant 0 : i32
    return %arg0, %arg1, %c0_i32 : i32, i32, i32
  }
  func.func @transform_1(%arg0: i32, %arg1: i32) -> (i32, i32, i32) {
    %c0_i32 = arith.constant 0 : i32
    %c0_i32_0 = arith.constant 0 : i32
    %c0_i32_1 = arith.constant 0 : i32
    return %arg0, %c0_i32, %c0_i32_0 : i32, i32, i32
  }
}

</mosaic_0001>

<sc_bundles>
// kernel: kernel.4.cloned.1.call-start
scs
__scs_entry_jumppad:
0x0: {  	(pc) =	sbr.rel $0x88, $3  }
0x1: {  	(tag) =	ssettag $0x0;
	lr =	simm.s32 $0x1  }
0x2: {  	[smem:$0x3FA0] =	sst lr;
	_ =	strace $0xD0000000  }
0x3: {  	_ = 	snop  }
0x4: {  	_ = 	snop  }
0x5: {  	_ = 	snop  }
0x6: {  	_ = 	snop  }
0x7: {  	_ = 	snop  }
__scs_overlays_trampoline_lowered:
0x8: {  	[smem:$0x3FAF] =	sst s0  }
0x9: {  	[smem:$0x3FB0] =	sst s1  }
0xa: {  	[smem:$0x3FB1] =	sst s2  }
0xb: {  	[smem:$0x3FB2] =	sst s3  }
0xc: {  	[smem:$0x3FB3] =	sst s4  }
0xd: {  	[smem:$0x3FB4] =	sst s5  }
0xe: {  	[smem:$0x3FB5] =	sst s6  }
0xf: {  	[smem:$0x3FB6] =	sst s7  }
0x10: {  	[smem:$0x3FB7] =	sst s8  }
0x11: {  	[smem:$0x3FB8] =	sst s9;
	s0 =	simm.s32 @!p0 $0x0  }
0x12: {  	s1 =	sld [smem:$0x3F9E];
	s0 =	simm.s32 @p0 $0x1  }
0x13: {  	[smem:$0x3FB9] =	sst s0;
	s0 =	simm.s32 @!p1 $0x0  }
0x14: {  	s2 =	sld [smem:$0x3F9D];
	s0 =	simm.s32 @p1 $0x1  }
0x15: {  	[smem:$0x3FBA] =	sst s0;
	s0 =	simm.s32 @!p2 $0x0  }
0x16: {  	s3 =	sld [smem:$0x3FDB];
	s0 =	simm.s32 @p2 $0x1  }
0x17: {  	s4 =	simm.s32 $0x1BF5;
	[smem:$0x3FBC] =	sst s0  }
0x18: {  	s0 =	sld [smem:$0x3F9F];
	_ =	swait.ge [sflag:s4], $0x0  }
0x19: {  	s7 =	sld [smem:$0x3FA0]  }
0x1a: {  	s8 =	sadd.s32 $0xFFFFE003, lr  }
0x1b: {  	s9 =	sadd.s32 $0xFFFFFEF7, lr;
	s5 =	simm.s32 $0xFFFFFFFF;
	p2 =	slt.u32 s8, $0xFFFFF086  }
0x1c: {  	p1 =	slt.u32 s9, $0xF7A;
	s5 =	simm.s32 @!p2 $0x0  }
0x1d: {  	s5 =	simm.s32 @p1 $0x1;
	p0 =	seq.s32 s7, s2  }
0x1e: {  	s7 =	smul.u32 @!p0 $0xF7A, s2;
	p2 =	seq.s32 @!p0 s5, $0x0  }
0x1f: {  	s9 =	smul.u32 $0xF7A, s1;
	s8 =	simm.s32 @!p0 $0x1BF5;
	p2 =	por !p2, p0  }
0x20: {  	[sflag:s8] =	ssyncset.s32 @!p0 $0xFFFFF086;
	s6 =	sadd.s32 @!p0 s3, s7;
	s7 =	simm.s32 @!p0 $0x108  }
0x21: {  	s3 =	sadd.s32 s3, s9;
	s6 =	sadd.s32 @!p0 $0x88, s6;
	s7 =	simm.s32 @p2 $0x1082  }
0x22: {  	[simem:s7], [sflag:s8] =	dma.local @!p0 [hbm:s6], $0xF7A  }
0x23: {  	s9 =	sor.u32 $0xD0000000, s2;
	s6 =	simm.s32 $0x108;
	_ =	swait.ge @!p0 [sflag:s8], $0x0  }
0x24: {  	s3 =	sadd.s32 $0x88, s3;
	s6 =	simm.s32 @!p1 $0x1082;
	[sflag:s4] =	ssyncset.s32 $0xFFFFF086  }
0x25: {  	[simem:s6], [sflag:s4] =	dma.local [hbm:s3], $0xF7A  }
0x26: {  	[smem:$0x3FA0] =	sst s1;
	(tag) =	ssettag s2;
	_ =	strace s9  }
0x27: {  	s1 =	sld [smem:$0x3FB0]  }
0x28: {  	s2 =	sld [smem:$0x3FB1]  }
0x29: {  	s4 =	sld [smem:$0x3FB3]  }
0x2a: {  	p0 =	seq.s32 s5, $0x0;
	s5 =	sld [smem:$0x3FB4]  }
0x2b: {  	s6 =	sld [smem:$0x3FB5]  }
0x2c: {  	s7 =	sld [smem:$0x3FB6]  }
0x2d: {  	s3 =	simm.s32 $0x108;
	s8 =	sld [smem:$0x3FB7]  }
0x2e: {  	s3 =	simm.s32 @!p0 $0x1082;
	s9 =	sld [smem:$0x3FB8]  }
0x2f: {  	lr =	sadd.s32 s0, s3;
	s0 =	sld [smem:$0x3FAF]  }
0x30: {  	s3 =	sld [smem:$0x3FB2]  }
0x31: {  	[smem:$0x3FBB] =	sst s10  }
0x32: {  	s10 =	sld [smem:$0x3FB9];
	_ =	sdelay $0x3  }
0x33: {  	p0 =	seq.s32 s10, $0x1;
	s10 =	sld [smem:$0x3FBB];
	_ =	sdelay $0x3  }
0x34: {  	[smem:$0x3FBB] =	sst s10  }
0x35: {  	s10 =	sld [smem:$0x3FBA];
	_ =	sdelay $0x3  }
0x36: {  	p1 =	seq.s32 s10, $0x1;
	s10 =	sld [smem:$0x3FBB];
	_ =	sdelay $0x3  }
0x37: {  	[smem:$0x3FBB] =	sst s10  }
0x38: {  	s10 =	sld [smem:$0x3FBC]  }
0x39: {  	_ = 	snop;
	(pc) =	sbr.ind lr, $3  }
0x3a: {  	_ = 	snop  }
0x3b: {  	_ = 	snop  }
0x3c: {  	p2 =	seq.s32 s10, $0x1;
	s10 =	sld [smem:$0x3FBB]  }
0x3d: {  	_ =	shalt  }
0x3e: {  	_ =	shalt  }
0x3f: {  	_ =	shalt  }
0x40: {  	_ =	shalt  }
0x41: {  	_ =	shalt  }
0x42: {  	_ =	shalt  }
0x43: {  	_ =	shalt  }
0x44: {  	_ =	shalt  }
0x45: {  	_ =	shalt  }
0x46: {  	_ =	shalt  }
0x47: {  	_ =	shalt  }
0x48: {  	_ =	shalt  }
0x49: {  	_ =	shalt  }
0x4a: {  	_ =	shalt  }
0x4b: {  	_ =	shalt  }
0x4c: {  	_ =	shalt  }
0x4d: {  	_ =	shalt  }
0x4e: {  	_ =	shalt  }
0x4f: {  	_ =	shalt  }
0x50: {  	_ =	shalt  }
0x51: {  	_ =	shalt  }
0x52: {  	_ =	shalt  }
0x53: {  	_ =	shalt  }
0x54: {  	_ =	shalt  }
0x55: {  	_ =	shalt  }
0x56: {  	_ =	shalt  }
0x57: {  	_ =	shalt  }
0x58: {  	_ =	shalt  }
0x59: {  	_ =	shalt  }
0x5a: {  	_ =	shalt  }
0x5b: {  	_ =	shalt  }
0x5c: {  	_ =	shalt  }
0x5d: {  	_ =	shalt  }
0x5e: {  	_ =	shalt  }
0x5f: {  	_ =	shalt  }
0x60: {  	_ =	shalt  }
0x61: {  	_ =	shalt  }
0x62: {  	_ =	shalt  }
0x63: {  	_ =	shalt  }
0x64: {  	_ =	shalt  }
0x65: {  	_ =	shalt  }
0x66: {  	_ =	shalt  }
0x67: {  	_ =	shalt  }
0x68: {  	_ =	shalt  }
0x69: {  	_ =	shalt  }
0x6a: {  	_ =	shalt  }
0x6b: {  	_ =	shalt  }
0x6c: {  	_ =	shalt  }
0x6d: {  	_ =	shalt  }
0x6e: {  	_ =	shalt  }
0x6f: {  	_ =	shalt  }
0x70: {  	_ =	shalt  }
0x71: {  	_ =	shalt  }
0x72: {  	_ =	shalt  }
0x73: {  	_ =	shalt  }
0x74: {  	_ =	shalt  }
0x75: {  	_ =	shalt  }
0x76: {  	_ =	shalt  }
0x77: {  	_ =	shalt  }
0x78: {  	_ =	shalt  }
0x79: {  	_ =	shalt  }
0x7a: {  	_ =	shalt  }
0x7b: {  	_ =	shalt  }
0x7c: {  	_ =	shalt  }
0x7d: {  	_ =	shalt  }
0x7e: {  	_ =	shalt  }
0x7f: {  	_ =	shalt  }
0x80: {  	_ =	shalt  }
0x81: {  	_ =	shalt  }
0x82: {  	_ =	shalt  }
0x83: {  	_ =	shalt  }
0x84: {  	_ =	shalt  }
0x85: {  	_ =	shalt  }
0x86: {  	_ =	shalt  }
0x87: {  	_ =	shalt  }
.Lfunc_end0:
.L_simem_size_0:
called_computation_lowered:
.L_overlay_start_0:
0x88: {  	s2 =	sld [smem:$0x3FD9]  }
0x89: {  	s3 =	sld [smem:$0x3FFE];
	_ =	sdelay $0x1  }
0x8a: {  	s1 =	srdreg.scid  }
0x8b: {  	s0 =	sand.u32 $0x1, s1  }
0x8c: {  	s18 =	sshll.u32 s0, $0xA;
	s2 =	sadd.s32 s3, s2  }
0x8d: {  	s2 =	sadd.s32 s2, s18  }
0x8e: {  	[smem:$0x3FC7] =	sst s2  }
0x8f: {  	_ = 	snop  }
0x90: {  	s2 =	sld [smem:$0x3FC9]  }
0x91: {  	s19 =	sld [smem:$0x3FD0];
	(tm) =	ssettm $0x1  }
0x92: {  	s4 =	sld [smem:$0x3FFB];
	_ =	sdelay $0x3  }
0x93: {  	_ =	strace s4  }
0x94: {  	s4 =	sld [smem:$0x3FFC];
	_ =	sdelay $0x3  }
0x95: {  	_ =	strace s4  }
0x96: {  	s4 =	sld [smem:$0x3FFD];
	_ =	sdelay $0x3  }
0x97: {  	_ =	strace s4  }
0x98: {  	_ =	strace $0x8FFFFFFF  }
0x99: {  	s20 =	sld [smem:$0x3FDB];
	_ =	sdelay $0x1  }
0x9a: {  	s5 =	simm.s32 $_scs_section_size  }
0x9b: {  	s6 =	simm.s32 $_size__tile_overlayer_lowered;
	s7 =	simm.s32 $_tile_overlayer_lowered  }
0x9c: {  	s23 =	simm.s32 $0x1BFF;
	s22 =	sshll.u32 s7, $0x1;
	s4 =	sadd.s32 s5, s20  }
0x9d: {  	s8 =	simm.s32 $0x0;
	s21 =	sshll.u32 s6, $0x1;
	s6 =	sadd.s32 s22, s4  }
0x9e: {  	[timem:s8], [sflag:s23] =	dma.local [hbm:s6], s21  }
0x9f: {  	_ =	swait.ge [sflag:s23], s21  }
0xa0: {  	s5 =	ssub.s32 $0x0, s21;
	[sflag:s23] =	ssyncset.done $0x0  }
0xa1: {  	[sflag:s23] =	ssyncadd.s32 s5;
	_ =	sdelay $0x1  }
0xa2: {  	s24 =	simm.s32 $0x1B8B  }
0xa3: {  	_ =	swait.ge [sflag:s24], $0x1  }
0xa4: {  	[sflag:s24] =	ssyncset.done $0x0  }
0xa5: {  	s25 =	simm.s32 $0x1B8E;
	[sflag:s24] =	ssyncadd.s32 $0xFFFFFFFF  }
0xa6: {  	s26 =	simm.s32 $execute0_lowered;
	[smem:$0x3FD2] =	sst s25  }
0xa7: {  	s5 =	sshll.u32 s26, $0x1;
	_ =	strace $0x80000046;
	[dreg:$0x1] =	wrdreg $0xFFFFFFFF  }
0xa8: {  	s28 =	simm.s32 $_size_execute0_lowered;
	s4 =	sadd.s32 s4, s5;
	[dreg:$0x0] =	wrdreg $0x0  }
0xa9: {  	s5 =	sshll.u32 s28, $0x1;
	[dreg:$0x2] =	wrdreg s4  }
0xaa: {  	[dreg:$0x3] =	wrdreg s5  }
0xab: {  	[dreg:$0x4] =	wrdreg $0xC0  }
0xac: {  	_ =	task [dreg:s8], $0x5FFFF  }
0xad: {  	[dreg:$0x1] =	wrdreg $0xFFFFFFFF  }
0xae: {  	[dreg:$0x0] =	wrdreg $0x60  }
0xaf: {  	[dreg:$0x2] =	wrdreg s2  }
0xb0: {  	[dreg:$0x3] =	wrdreg s19  }
0xb1: {  	[dreg:$0x4] =	wrdreg $0x104000  }
0xb2: {  	[dreg:$0x5] =	wrdreg $0x9  }
0xb3: {  	_ =	task.clear_ibuf [dreg:s8], $0x6FFFF;
	_ =	strace $0x90000046  }
0xb4: {  	s29 =	simm.s32 $0x9;
	_ =	strace $0x80000048  }
0xb5: {  	_ =	swait.ge [sflag:s29], $0x1  }
0xb6: {  	[sflag:s29] =	ssyncadd.s32 $0xFFFFFFFF  }
0xb7: {  	_ =	strace $0x90000048  }
0xb8: {  	_ =	sfence  }
0xb9: {  	s30 =	sld [smem:$0x0];
	_ =	sdelay $0x2  }
0xba: {  	s31 =	sshll.u32 s1, $0xD;
	s1 =	sshrl.u32 s1, $0x2  }
0xbb: {  	s3 =	sand.u32 $0x4000, s31;
	s1 =	sadd.s32 s1, s30  }
0xbc: {  	s0 =	sor.u32 s3, s0;
	s1 =	sshll.u32 s1, $0x11  }
0xbd: {  	s0 =	sor.u32 s1, s0  }
0xbe: {  	s0 =	sadd.s32 $0x8F2B, s0  }
0xbf: {  	[sflag:s0] =	ssyncadd.remote.s32 $0x1  }
0xc0: {  	_ =	sfence.sel $0xFFFF  }
0xc1: {  	[dreg:$0x0] =	wrdreg $0xFFFFFFFF;
	(pc) =	sbr.abs _section_cstart, $3  }
0xc2: {  	[dreg:$0x1] =	wrdreg $0xFFFFFFFF  }
0xc3: {  	_ =	task.clear_ibuf [dreg:s8], $0x2FFFF;
	_ =	strace $0x9FFFFFFF  }
0xc4: {  	(tm) =	ssettm $0x7FFFFFFF  }
0xc5: {  	_ =	shalt  }
tec
execute0_lowered:
.L_overlay_start_1:
0x0: {  	(tag) =	ssettag $0x1  }
0x1: {  	s1 =	rddreg [dreg:$0x0]  }
0x2: {  	s0 =	rddreg [dreg:$0x1]  }
0x3: {  	s2 =	rddreg [dreg:$0x2]  }
0x4: {  	s4 =	srdreg.scid;
	s15 =	stileid.u32;
	s3 =	simm.s32 $0x0  }
0x5: {  	s28 =	simm.s32 $0x8000;
	s29 =	simm.s32 $0x1;
	s30 =	simm.s32 $0x2  }
0x6: {  	s31 =	simm.s32 $0x80;
	s8 =	sand.u32 $0x1, s4;
	s14 =	sshll.u32 s15, $0x15  }
0x7: {  	[smem:$0x7FF] =	sst s3;
	s16 =	sshll.u32 s15, $0x12;
	s11 =	sshll.u32 s15, $0x8  }
0x8: {  	s17 =	sshll.u32 s15, $0xA;
	s12 =	sshll.u32 s15, $0x7;
	p0 =	sgt.u32 s15, $0x7  }
0x9: {  	s5 =	sshll.u32 s8, $0x19;
	s4 =	sand.u32 $0x1C00000, s14;
	s6 =	ssub.s32 $0x2, s8  }
0xa: {  	s13 =	sand.u32 $0x380, s12;
	s14 =	sshll.u32 s15, $0xB;
	s8 =	sshll.u32 s8, $0xD  }
0xb: {  	s11 =	sand.u32 $0x300, s11;
	s4 =	sor.u32 s4, s5;
	s7 =	sshrl.u32 s6, $0x1  }
0xc: {  	s14 =	sand.u32 $0x2000, s14;
	s12 =	sor.u32 s12, s8;
	s9 =	sor.u32 s4, s16  }
0xd: {  	s10 =	ssub.s32 s6, s7;
	s4 =	sor.u32 $0x380000, s9;
	s5 =	sshrl.u32 s9, $0x3  }
0xe: {  	s6 =	sor.u32 $0x390000, s9;
	s7 =	sor.u32 $0x398000, s9;
	s9 =	sand.u32 $0x2000, s17  }
0xf: {  	s18 =	sshrl.u32 s12, $0x3;
	s9 =	sadd.s32 s9, s2;
	s2 =	sadd.s32 s14, s2  }
0x10: {  	s0 =	sadd.s32 s0, s18;
	s8 =	sadd.s32 s13, s9;
	s9 =	sadd.s32 s11, s2  }
0x11: {  	_ =	strace $0x80000047;
	[dreg:$0x5] =	wrdreg s0;
	s11 =	sadd.s32 $0x80, s9  }
0x12: {  	s12 =	smax.u32 s10, $0x1;
	s19 =	sadd.s32 $0x400, s9;
	[dreg:$0x4] =	wrdreg s11  }
0x13: {  	s10 =	simm.s32 $0x3;
	s20 =	sadd.s32 $0x800, s9;
	[dreg:$0x6] =	wrdreg s19  }
0x14: {  	s4 =	sshrl.u32 s4, $0x3;
	s21 =	sadd.s32 $0xC00, s9;
	[dreg:$0x7] =	wrdreg s20  }
0x15: {  	s5 =	sor.u32 $0x71000, s5;
	s22 =	sadd.s32 $0x1000, s9;
	[dreg:$0x8] =	wrdreg s21  }
0x16: {  	s0 =	simm.s32 $0x400;
	s23 =	sadd.s32 $0x1400, s9;
	[dreg:$0x9] =	wrdreg s22  }
0x17: {  	s4 =	sadd.s32 s1, s4;
	s24 =	sadd.s32 $0x1800, s9;
	[dreg:$0xa] =	wrdreg s23  }
.Ltmp0:
0x18: {  	s25 =	sadd.s32 $0x1C00, s9;
	[dreg:$0xb] =	wrdreg s24;
	(pc) =	sbr.rel .LBB2_1-.Ltmp0, $4  }
0x19: {  	s5 =	sadd.s32 s1, s5;
	s26 =	sadd.s32 $0x480, s9;
	[dreg:$0xc] =	wrdreg s25  }
0x1a: {  	s2 =	simm.s32 $0x10000;
	[dreg:$0xd] =	wrdreg s26;
	s21 =	sadd.s32 $0x880, s9  }
0x1b: {  	s22 =	sadd.s32 $0xC80, s9;
	s23 =	sadd.s32 $0x1080, s9;
	s24 =	sadd.s32 $0x1480, s9  }
0x1c: {  	v0 =	vimm.f32 $0.0e+00;
	s25 =	sadd.s32 $0x1880, s9;
	s26 =	sadd.s32 $0x1C80, s9;
	s11 =	simm.s32 $0x0  }
.LBB2_14:
0x1d: {  	s11 =	sadd.s32 $0x1, s11  }
0x1e: {  	p1 =	sne.s32 s11, s12  }
.Ltmp1:
0x1f: {  	_ = 	snop;
	(pc) =	sbr.rel @!p1 .LBB2_15-.Ltmp1, $1  }
0x20: {  	_ =	sdelay $0x3  }
.LBB2_1:
0x21: {  	s13 =	simm.s32 $0x40;
	s14 =	simm.s32 $0x0  }
.LBB2_2:
0x22: {  	p1 =	sne.s32 s13, $0xFC0;
	[tilespmem:s14+$0x10000] =	vst v0;
	s14 =	smov.u32 s13;
	s13 =	sadd.s32 $0x40, s13  }
.Ltmp2:
0x23: {  	(pc) =	sbr.rel @p1 .LBB2_2-.Ltmp2, $2  }
0x24: {  	_ =	sdelay $0x2  }
0x25: {  	s14 =	sshra.s32 s14, $0x2  }
0x26: {  	[tilespmem:s14+$0x10000] =	vst v0;
	s13 =	simm.s32 $0x0  }
0x27: {  	[tilespmem:s13], [sflag:$0x1] =	stream.linear.gather [hbm4b:s4+s13], $0x8000, $0x38;
	[tilespmem:$0x10800] =	vst v63  }
0x28: {  	s14 =	simm.s32 $0x0  }
0x29: {  	[tilespmem:s28], [sflag:$0x2] =	stream.linear.gather [hbm4b:s5+s13], $0x8000, $0x38;
	[tilespmem:$0x10800] =	vst v63  }
.LBB2_4:
0x2a: {  	_ =	swait.ge [sflag:s29], $0x8000  }
0x2b: {  	s15 =	sand.u32 $0x70, s13;
	s16 =	sand.u32 $0x1C00, s13;
	[sflag:s29] =	ssyncset.done $0x0  }
0x2c: {  	s15 =	sor.u32 s15, s16;
	[sflag:s29] =	ssyncadd.s32 $0xFFFF8000  }
0x2d: {  	v1 =	vld [tilespmem:s15+$0x80]  }
0x2e: {  	v2 =	vld [tilespmem:s15+$0x0]  }
0x2f: {  	v3 =	vld [tilespmem:s15+$0x100]  }
0x30: {  	v4 =	vld [tilespmem:s15+$0x180]  }
0x31: {  	v5 =	vld [tilespmem:s15+$0x200]  }
0x32: {  	v6 =	vld [tilespmem:s15+$0x280]  }
0x33: {  	v7 =	vld [tilespmem:s15+$0x300]  }
0x34: {  	v8 =	vld [tilespmem:s15+$0x380]  }
0x35: {  	v9 =	vld [tilespmem:s15+$0x2000]  }
0x36: {  	v10 =	vld [tilespmem:s15+$0x2080]  }
0x37: {  	v11 =	vld [tilespmem:s15+$0x2100]  }
0x38: {  	v12 =	vld [tilespmem:s15+$0x2180]  }
0x39: {  	v13 =	vld [tilespmem:s15+$0x2200]  }
0x3a: {  	v14 =	vld [tilespmem:s15+$0x2280]  }
0x3b: {  	v15 =	vld [tilespmem:s15+$0x2300]  }
0x3c: {  	v16 =	vld [tilespmem:s15+$0x2380]  }
0x3d: {  	v17 =	vld [tilespmem:s15+$0x4000]  }
0x3e: {  	v18 =	vld [tilespmem:s15+$0x4080]  }
0x3f: {  	v19 =	vld [tilespmem:s15+$0x4100]  }
0x40: {  	v20 =	vld [tilespmem:s15+$0x4180]  }
0x41: {  	v21 =	vld [tilespmem:s15+$0x4200]  }
0x42: {  	v22 =	vld [tilespmem:s15+$0x4280]  }
0x43: {  	v23 =	vld [tilespmem:s15+$0x4300]  }
0x44: {  	v25 =	vld [tilespmem:s15+$0x6000]  }
0x45: {  	v26 =	vld [tilespmem:s15+$0x6080]  }
0x46: {  	v27 =	vld [tilespmem:s15+$0x6100]  }
0x47: {  	v28 =	vld [tilespmem:s15+$0x6180]  }
0x48: {  	v24 =	vld [tilespmem:s15+$0x4380];
	v1 =	vadd.f32 v1, v2;
	v2 =	vadd.f32 v4, v3  }
0x49: {  	v3 =	vld [tilespmem:s15+$0x6200];
	v4 =	vadd.f32 v6, v5;
	v5 =	vadd.f32 v8, v7  }
0x4a: {  	v6 =	vld [tilespmem:s15+$0x6280];
	v7 =	vadd.f32 v10, v9;
	v8 =	vadd.f32 v12, v11  }
0x4b: {  	v9 =	vld [tilespmem:s15+$0x6300];
	v10 =	vadd.f32 v14, v13;
	v11 =	vadd.f32 v16, v15  }
0x4c: {  	v12 =	vld [tilespmem:s15+$0x6380];
	v13 =	vadd.f32 v26, v25;
	v14 =	vadd.f32 v28, v27  }
0x4d: {  	v1 =	vadd.f32 v2, v1;
	v2 =	vadd.f32 v5, v4  }
0x4e: {  	v4 =	vadd.f32 v8, v7;
	v5 =	vadd.f32 v11, v10  }
0x4f: {  	v7 =	vadd.f32 v18, v17;
	v8 =	vadd.f32 v20, v19  }
0x50: {  	v10 =	vadd.f32 v22, v21;
	v11 =	vadd.f32 v24, v23  }
0x51: {  	v3 =	vadd.f32 v6, v3;
	v6 =	vadd.f32 v12, v9  }
0x52: {  	v7 =	vadd.f32 v8, v7;
	v8 =	vadd.f32 v11, v10  }
0x53: {  	v9 =	vadd.f32 v14, v13;
	v3 =	vadd.f32 v6, v3  }
0x54: {  	v1 =	vadd.f32 v2, v1;
	v2 =	vadd.f32 v5, v4  }
0x55: {  	s15 =	simm.s32 $0x10000;
	v4 =	vadd.f32 v8, v7;
	v3 =	vadd.f32 v3, v9  }
0x56: {  	v5 =	vld [tilespmem:s15+$0x0]  }
0x57: {  	v1 =	vadd.f32 v2, v1;
	v2 =	vadd.f32 v3, v4;
	_ =	sdelay $0x1  }
0x58: {  	v1 =	vadd.f32 v2, v1;
	_ =	sdelay $0x1  }
0x59: {  	s17 =	simm.s32 $0x10;
	s16 =	simm.s32 $0x80;
	v1 =	vadd.f32 v1, v5  }
0x5a: {  	s17 =	sand.u32 $0x70, s17;
	s18 =	sand.u32 $0x1C00, s16  }
0x5b: {  	s18 =	sor.u32 s17, s18;
	[tilespmem:s15+$0x0] =	vst v1  }
0x5c: {  	v17 =	vld [tilespmem:s18+$0x80]  }
0x5d: {  	v18 =	vld [tilespmem:s18+$0x0]  }
0x5e: {  	v20 =	vld [tilespmem:s18+$0x100]  }
0x5f: {  	v21 =	vld [tilespmem:s18+$0x180]  }
0x60: {  	v22 =	vld [tilespmem:s18+$0x200]  }
0x61: {  	v23 =	vld [tilespmem:s18+$0x280]  }
0x62: {  	v24 =	vld [tilespmem:s18+$0x300]  }
0x63: {  	v25 =	vld [tilespmem:s18+$0x380]  }
0x64: {  	v26 =	vld [tilespmem:s18+$0x2000]  }
0x65: {  	v27 =	vld [tilespmem:s18+$0x2080]  }
0x66: {  	v63 =	vld [tilespmem:s18+$0x2100]  }
0x67: {  	v29 =	vld [tilespmem:s18+$0x2180]  }
0x68: {  	v4 =	vld [tilespmem:s18+$0x2200]  }
0x69: {  	v7 =	vld [tilespmem:s18+$0x2280]  }
0x6a: {  	v8 =	vld [tilespmem:s18+$0x2300]  }
0x6b: {  	v11 =	vld [tilespmem:s18+$0x2380]  }
0x6c: {  	v1 =	vld [tilespmem:s18+$0x4000]  }
0x6d: {  	v2 =	vld [tilespmem:s18+$0x4080]  }
0x6e: {  	v3 =	vld [tilespmem:s18+$0x4100]  }
0x6f: {  	v5 =	vld [tilespmem:s18+$0x4180]  }
0x70: {  	v6 =	vld [tilespmem:s18+$0x4200]  }
0x71: {  	v9 =	vld [tilespmem:s18+$0x4280]  }
0x72: {  	v10 =	vld [tilespmem:s18+$0x4300]  }
0x73: {  	v12 =	vld [tilespmem:s18+$0x4380]  }
0x74: {  	v13 =	vld [tilespmem:s18+$0x6000]  }
0x75: {  	v14 =	vld [tilespmem:s18+$0x6080]  }
0x76: {  	v15 =	vld [tilespmem:s18+$0x6100]  }
0x77: {  	v16 =	vld [tilespmem:s18+$0x6180];
	v19 =	vadd.f32 v17, v18;
	v20 =	vadd.f32 v21, v20  }
0x78: {  	v17 =	vld [tilespmem:s18+$0x6200];
	v21 =	vadd.f32 v23, v22;
	v22 =	vadd.f32 v25, v24  }
0x79: {  	s17 =	simm.s32 $0x20;
	v18 =	vld [tilespmem:s18+$0x6280];
	v23 =	vadd.f32 v27, v26;
	v24 =	vadd.f32 v29, v63  }
.LBB2_5:
0x7a: {  	p1 =	sne.s32 s17, $0x3F0;
	v25 =	vld [tilespmem:s18+$0x6300];
	v4 =	vadd.f32 v7, v4;
	v7 =	vadd.f32 v11, v8  }
0x7b: {  	v11 =	vadd.f32 v20, v19;
	v19 =	vadd.f32 v22, v21;
	v8 =	vld [tilespmem:s18+$0x6380]  }
0x7c: {  	v20 =	vadd.f32 v24, v23;
	v4 =	vadd.f32 v7, v4  }
0x7d: {  	v1 =	vadd.f32 v2, v1;
	v2 =	vadd.f32 v5, v3  }
0x7e: {  	v3 =	vadd.f32 v9, v6;
	v5 =	vadd.f32 v12, v10  }
0x7f: {  	v6 =	vadd.f32 v14, v13;
	v7 =	vadd.f32 v16, v15  }
0x80: {  	v9 =	vadd.f32 v18, v17;
	v8 =	vadd.f32 v8, v25  }
0x81: {  	v1 =	vadd.f32 v2, v1;
	v2 =	vadd.f32 v5, v3  }
0x82: {  	v3 =	vadd.f32 v7, v6;
	v5 =	vadd.f32 v8, v9  }
0x83: {  	v6 =	vadd.f32 v19, v11;
	v4 =	vadd.f32 v4, v20  }
0x84: {  	s15 =	sadd.s32 $0x10, s15;
	v1 =	vadd.f32 v2, v1;
	v2 =	vadd.f32 v5, v3  }
0x85: {  	v3 =	vld [tilespmem:s15+$0x0]  }
0x86: {  	v4 =	vadd.f32 v4, v6;
	v1 =	vadd.f32 v2, v1;
	_ =	sdelay $0x1  }
0x87: {  	v1 =	vadd.f32 v1, v4;
	_ =	sdelay $0x1  }
0x88: {  	s16 =	sadd.s32 $0x80, s16;
	v1 =	vadd.f32 v1, v3  }
0x89: {  	s18 =	sand.u32 $0x70, s17;
	s19 =	sand.u32 $0x1C00, s16  }
0x8a: {  	s18 =	sor.u32 s18, s19;
	[tilespmem:s15+$0x0] =	vst v1  }
0x8b: {  	v17 =	vld [tilespmem:s18+$0x80]  }
0x8c: {  	v18 =	vld [tilespmem:s18+$0x0]  }
0x8d: {  	v20 =	vld [tilespmem:s18+$0x100]  }
0x8e: {  	v21 =	vld [tilespmem:s18+$0x180]  }
0x8f: {  	v22 =	vld [tilespmem:s18+$0x200]  }
0x90: {  	v23 =	vld [tilespmem:s18+$0x280]  }
0x91: {  	v24 =	vld [tilespmem:s18+$0x300]  }
0x92: {  	v25 =	vld [tilespmem:s18+$0x380]  }
0x93: {  	v26 =	vld [tilespmem:s18+$0x2000]  }
0x94: {  	v27 =	vld [tilespmem:s18+$0x2080]  }
0x95: {  	v28 =	vld [tilespmem:s18+$0x2100]  }
0x96: {  	v29 =	vld [tilespmem:s18+$0x2180]  }
0x97: {  	v4 =	vld [tilespmem:s18+$0x2200]  }
0x98: {  	v7 =	vld [tilespmem:s18+$0x2280]  }
0x99: {  	v8 =	vld [tilespmem:s18+$0x2300]  }
0x9a: {  	v11 =	vld [tilespmem:s18+$0x2380]  }
0x9b: {  	v1 =	vld [tilespmem:s18+$0x4000]  }
0x9c: {  	v2 =	vld [tilespmem:s18+$0x4080]  }
0x9d: {  	v3 =	vld [tilespmem:s18+$0x4100]  }
0x9e: {  	v5 =	vld [tilespmem:s18+$0x4180]  }
0x9f: {  	v6 =	vld [tilespmem:s18+$0x4200]  }
0xa0: {  	v9 =	vld [tilespmem:s18+$0x4280]  }
0xa1: {  	v10 =	vld [tilespmem:s18+$0x4300]  }
0xa2: {  	v12 =	vld [tilespmem:s18+$0x4380]  }
0xa3: {  	v13 =	vld [tilespmem:s18+$0x6000]  }
.Ltmp3:
0xa4: {  	v14 =	vld [tilespmem:s18+$0x6080];
	(pc) =	sbr.rel @p1 .LBB2_5-.Ltmp3, $4  }
0xa5: {  	v15 =	vld [tilespmem:s18+$0x6100]  }
0xa6: {  	v19 =	vadd.f32 v17, v18;
	v20 =	vadd.f32 v21, v20;
	v16 =	vld [tilespmem:s18+$0x6180]  }
0xa7: {  	v21 =	vadd.f32 v23, v22;
	v22 =	vadd.f32 v25, v24;
	v17 =	vld [tilespmem:s18+$0x6200]  }
0xa8: {  	s17 =	sadd.s32 $0x10, s17;
	v23 =	vadd.f32 v27, v26;
	v24 =	vadd.f32 v29, v28;
	v18 =	vld [tilespmem:s18+$0x6280]  }
0xa9: {  	v25 =	vld [tilespmem:s18+$0x6300];
	v4 =	vadd.f32 v7, v4;
	v7 =	vadd.f32 v11, v8  }
0xaa: {  	v8 =	vld [tilespmem:s18+$0x6380];
	v11 =	vadd.f32 v20, v19;
	v19 =	vadd.f32 v22, v21  }
0xab: {  	v1 =	vadd.f32 v2, v1;
	v2 =	vadd.f32 v5, v3  }
0xac: {  	v3 =	vadd.f32 v9, v6;
	v5 =	vadd.f32 v12, v10  }
0xad: {  	v6 =	vadd.f32 v14, v13;
	v20 =	vadd.f32 v24, v23  }
0xae: {  	v4 =	vadd.f32 v7, v4;
	v7 =	vadd.f32 v16, v15  }
0xaf: {  	v9 =	vadd.f32 v18, v17;
	v8 =	vadd.f32 v8, v25  }
0xb0: {  	v1 =	vadd.f32 v2, v1;
	v2 =	vadd.f32 v5, v3  }
0xb1: {  	v3 =	vadd.f32 v7, v6;
	v5 =	vadd.f32 v8, v9  }
0xb2: {  	v6 =	vadd.f32 v19, v11;
	v4 =	vadd.f32 v4, v20  }
0xb3: {  	s16 =	sadd.s32 $0x10, s15;
	v1 =	vadd.f32 v2, v1;
	v2 =	vadd.f32 v5, v3  }
0xb4: {  	v3 =	vld [tilespmem:s16+$0x0]  }
0xb5: {  	v4 =	vadd.f32 v4, v6;
	v1 =	vadd.f32 v2, v1;
	_ =	sdelay $0x1  }
0xb6: {  	v1 =	vadd.f32 v1, v4  }
0xb7: {  	s15 =	sshll.u32 s14, $0x10;
	p1 =	seq.s32 s14, $0x3  }
0xb8: {  	s17 =	sadd.s32 @!p1 s15, s6;
	v1 =	vadd.f32 v1, v3  }
0xb9: {  	s17 =	sshrl.u32 @!p1 s17, $0x3  }
0xba: {  	[tilespmem:s16+$0x0] =	vst v1;
	s16 =	sadd.s32 @!p1 s1, s17;
	s17 =	simm.s32 @!p1 $0x0  }
0xbb: {  	[tilespmem:s17], [sflag:$0x1] =	stream.linear.gather @!p1 [hbm4b:s16+s17], $0x8000, $0x38;
	[tilespmem:$0x10800] =	vst v63  }
0xbc: {  	s18 =	simm.s32 $0x0;
	_ =	swait.ge [sflag:s30], $0x8000  }
0xbd: {  	s19 =	sand.u32 $0x70, s18;
	s16 =	sand.u32 $0x1C00, s18;
	[sflag:s30] =	ssyncset.done $0x0  }
0xbe: {  	s16 =	sor.u32 s19, s16;
	[sflag:s30] =	ssyncadd.s32 $0xFFFF8000  }
0xbf: {  	v1 =	vld [tilespmem:s16+$0x8080]  }
0xc0: {  	v2 =	vld [tilespmem:s16+$0x8000]  }
0xc1: {  	v3 =	vld [tilespmem:s16+$0x8100]  }
0xc2: {  	v4 =	vld [tilespmem:s16+$0x8180]  }
0xc3: {  	v5 =	vld [tilespmem:s16+$0x8200]  }
0xc4: {  	v6 =	vld [tilespmem:s16+$0x8280]  }
0xc5: {  	v7 =	vld [tilespmem:s16+$0x8300]  }
0xc6: {  	v8 =	vld [tilespmem:s16+$0x8380]  }
0xc7: {  	v9 =	vld [tilespmem:s16+$0xA000]  }
0xc8: {  	v10 =	vld [tilespmem:s16+$0xA080]  }
0xc9: {  	v11 =	vld [tilespmem:s16+$0xA100]  }
0xca: {  	v12 =	vld [tilespmem:s16+$0xA180]  }
0xcb: {  	v13 =	vld [tilespmem:s16+$0xA200]  }
0xcc: {  	v14 =	vld [tilespmem:s16+$0xA280]  }
0xcd: {  	v15 =	vld [tilespmem:s16+$0xA300]  }
0xce: {  	v16 =	vld [tilespmem:s16+$0xA380]  }
0xcf: {  	v17 =	vld [tilespmem:s16+$0xC000]  }
0xd0: {  	v18 =	vld [tilespmem:s16+$0xC080]  }
0xd1: {  	v19 =	vld [tilespmem:s16+$0xC100]  }
0xd2: {  	v20 =	vld [tilespmem:s16+$0xC180]  }
0xd3: {  	v21 =	vld [tilespmem:s16+$0xC200]  }
0xd4: {  	v22 =	vld [tilespmem:s16+$0xC280]  }
0xd5: {  	v23 =	vld [tilespmem:s16+$0xC300]  }
0xd6: {  	v25 =	vld [tilespmem:s16+$0xE000]  }
0xd7: {  	v26 =	vld [tilespmem:s16+$0xE080]  }
0xd8: {  	v27 =	vld [tilespmem:s16+$0xE100]  }
0xd9: {  	v28 =	vld [tilespmem:s16+$0xE180]  }
0xda: {  	v24 =	vld [tilespmem:s16+$0xC380];
	v1 =	vadd.f32 v1, v2;
	v2 =	vadd.f32 v4, v3  }
0xdb: {  	v3 =	vld [tilespmem:s16+$0xE200];
	v4 =	vadd.f32 v6, v5;
	v5 =	vadd.f32 v8, v7  }
0xdc: {  	v6 =	vld [tilespmem:s16+$0xE280];
	v7 =	vadd.f32 v10, v9;
	v8 =	vadd.f32 v12, v11  }
0xdd: {  	v9 =	vld [tilespmem:s16+$0xE300];
	v10 =	vadd.f32 v14, v13;
	v11 =	vadd.f32 v16, v15  }
0xde: {  	v12 =	vld [tilespmem:s16+$0xE380];
	v13 =	vadd.f32 v26, v25;
	v14 =	vadd.f32 v28, v27  }
0xdf: {  	v1 =	vadd.f32 v2, v1;
	v2 =	vadd.f32 v5, v4  }
0xe0: {  	v4 =	vadd.f32 v8, v7;
	v5 =	vadd.f32 v11, v10  }
0xe1: {  	v7 =	vadd.f32 v18, v17;
	v8 =	vadd.f32 v20, v19  }
0xe2: {  	v10 =	vadd.f32 v22, v21;
	v11 =	vadd.f32 v24, v23  }
0xe3: {  	v3 =	vadd.f32 v6, v3;
	v6 =	vadd.f32 v12, v9  }
0xe4: {  	v7 =	vadd.f32 v8, v7;
	v8 =	vadd.f32 v11, v10  }
0xe5: {  	v9 =	vadd.f32 v14, v13;
	v3 =	vadd.f32 v6, v3  }
0xe6: {  	v1 =	vadd.f32 v2, v1;
	v2 =	vadd.f32 v5, v4  }
0xe7: {  	s16 =	simm.s32 $0x10000;
	v4 =	vadd.f32 v8, v7;
	v3 =	vadd.f32 v3, v9  }
0xe8: {  	v5 =	vld [tilespmem:s16+$0x0]  }
0xe9: {  	v1 =	vadd.f32 v2, v1;
	v2 =	vadd.f32 v3, v4;
	_ =	sdelay $0x1  }
0xea: {  	v1 =	vadd.f32 v2, v1;
	_ =	sdelay $0x1  }
0xeb: {  	s20 =	simm.s32 $0x10;
	s17 =	simm.s32 $0x80;
	v1 =	vadd.f32 v1, v5  }
0xec: {  	s18 =	sand.u32 $0x70, s20;
	s19 =	sand.u32 $0x1C00, s17  }
0xed: {  	s19 =	sor.u32 s18, s19;
	[tilespmem:s16+$0x0] =	vst v1  }
0xee: {  	v17 =	vld [tilespmem:s19+$0x8080]  }
0xef: {  	v18 =	vld [tilespmem:s19+$0x8000]  }
0xf0: {  	v20 =	vld [tilespmem:s19+$0x8100]  }
0xf1: {  	v21 =	vld [tilespmem:s19+$0x8180]  }
0xf2: {  	v22 =	vld [tilespmem:s19+$0x8200]  }
0xf3: {  	v23 =	vld [tilespmem:s19+$0x8280]  }
0xf4: {  	v24 =	vld [tilespmem:s19+$0x8300]  }
0xf5: {  	v25 =	vld [tilespmem:s19+$0x8380]  }
0xf6: {  	v26 =	vld [tilespmem:s19+$0xA000]  }
0xf7: {  	v27 =	vld [tilespmem:s19+$0xA080]  }
0xf8: {  	v63 =	vld [tilespmem:s19+$0xA100]  }
0xf9: {  	v29 =	vld [tilespmem:s19+$0xA180]  }
0xfa: {  	v4 =	vld [tilespmem:s19+$0xA200]  }
0xfb: {  	v7 =	vld [tilespmem:s19+$0xA280]  }
0xfc: {  	v8 =	vld [tilespmem:s19+$0xA300]  }
0xfd: {  	v11 =	vld [tilespmem:s19+$0xA380]  }
0xfe: {  	v1 =	vld [tilespmem:s19+$0xC000]  }
0xff: {  	v2 =	vld [tilespmem:s19+$0xC080]  }
0x100: {  	v3 =	vld [tilespmem:s19+$0xC100]  }
0x101: {  	v5 =	vld [tilespmem:s19+$0xC180]  }
0x102: {  	v6 =	vld [tilespmem:s19+$0xC200]  }
0x103: {  	v9 =	vld [tilespmem:s19+$0xC280]  }
0x104: {  	v10 =	vld [tilespmem:s19+$0xC300]  }
0x105: {  	v12 =	vld [tilespmem:s19+$0xC380]  }
0x106: {  	v13 =	vld [tilespmem:s19+$0xE000]  }
0x107: {  	v14 =	vld [tilespmem:s19+$0xE080]  }
0x108: {  	v15 =	vld [tilespmem:s19+$0xE100]  }
0x109: {  	v16 =	vld [tilespmem:s19+$0xE180];
	v19 =	vadd.f32 v17, v18;
	v20 =	vadd.f32 v21, v20  }
0x10a: {  	v17 =	vld [tilespmem:s19+$0xE200];
	v21 =	vadd.f32 v23, v22;
	v22 =	vadd.f32 v25, v24  }
0x10b: {  	s18 =	simm.s32 $0x20;
	v18 =	vld [tilespmem:s19+$0xE280];
	v23 =	vadd.f32 v27, v26;
	v24 =	vadd.f32 v29, v63  }
.LBB2_7:
0x10c: {  	p2 =	sne.s32 s18, $0x3F0;
	v25 =	vld [tilespmem:s19+$0xE300];
	v4 =	vadd.f32 v7, v4;
	v7 =	vadd.f32 v11, v8  }
0x10d: {  	v11 =	vadd.f32 v20, v19;
	v19 =	vadd.f32 v22, v21;
	v8 =	vld [tilespmem:s19+$0xE380]  }
0x10e: {  	v20 =	vadd.f32 v24, v23;
	v4 =	vadd.f32 v7, v4  }
0x10f: {  	v1 =	vadd.f32 v2, v1;
	v2 =	vadd.f32 v5, v3  }
0x110: {  	v3 =	vadd.f32 v9, v6;
	v5 =	vadd.f32 v12, v10  }
0x111: {  	v6 =	vadd.f32 v14, v13;
	v7 =	vadd.f32 v16, v15  }
0x112: {  	v9 =	vadd.f32 v18, v17;
	v8 =	vadd.f32 v8, v25  }
0x113: {  	v1 =	vadd.f32 v2, v1;
	v2 =	vadd.f32 v5, v3  }
0x114: {  	v3 =	vadd.f32 v7, v6;
	v5 =	vadd.f32 v8, v9  }
0x115: {  	v6 =	vadd.f32 v19, v11;
	v4 =	vadd.f32 v4, v20  }
0x116: {  	s16 =	sadd.s32 $0x10, s16;
	v1 =	vadd.f32 v2, v1;
	v2 =	vadd.f32 v5, v3  }
0x117: {  	v3 =	vld [tilespmem:s16+$0x0]  }
0x118: {  	v4 =	vadd.f32 v4, v6;
	v1 =	vadd.f32 v2, v1;
	_ =	sdelay $0x1  }
0x119: {  	v1 =	vadd.f32 v1, v4;
	_ =	sdelay $0x1  }
0x11a: {  	s17 =	sadd.s32 $0x80, s17;
	v1 =	vadd.f32 v1, v3  }
0x11b: {  	s19 =	sand.u32 $0x70, s18;
	s20 =	sand.u32 $0x1C00, s17  }
0x11c: {  	s19 =	sor.u32 s19, s20;
	[tilespmem:s16+$0x0] =	vst v1  }
0x11d: {  	v17 =	vld [tilespmem:s19+$0x8080]  }
0x11e: {  	v18 =	vld [tilespmem:s19+$0x8000]  }
0x11f: {  	v20 =	vld [tilespmem:s19+$0x8100]  }
0x120: {  	v21 =	vld [tilespmem:s19+$0x8180]  }
0x121: {  	v22 =	vld [tilespmem:s19+$0x8200]  }
0x122: {  	v23 =	vld [tilespmem:s19+$0x8280]  }
0x123: {  	v24 =	vld [tilespmem:s19+$0x8300]  }
0x124: {  	v25 =	vld [tilespmem:s19+$0x8380]  }
0x125: {  	v26 =	vld [tilespmem:s19+$0xA000]  }
0x126: {  	v27 =	vld [tilespmem:s19+$0xA080]  }
0x127: {  	v28 =	vld [tilespmem:s19+$0xA100]  }
0x128: {  	v29 =	vld [tilespmem:s19+$0xA180]  }
0x129: {  	v4 =	vld [tilespmem:s19+$0xA200]  }
0x12a: {  	v7 =	vld [tilespmem:s19+$0xA280]  }
0x12b: {  	v8 =	vld [tilespmem:s19+$0xA300]  }
0x12c: {  	v11 =	vld [tilespmem:s19+$0xA380]  }
0x12d: {  	v1 =	vld [tilespmem:s19+$0xC000]  }
0x12e: {  	v2 =	vld [tilespmem:s19+$0xC080]  }
0x12f: {  	v3 =	vld [tilespmem:s19+$0xC100]  }
0x130: {  	v5 =	vld [tilespmem:s19+$0xC180]  }
0x131: {  	v6 =	vld [tilespmem:s19+$0xC200]  }
0x132: {  	v9 =	vld [tilespmem:s19+$0xC280]  }
0x133: {  	v10 =	vld [tilespmem:s19+$0xC300]  }
0x134: {  	v12 =	vld [tilespmem:s19+$0xC380]  }
0x135: {  	v13 =	vld [tilespmem:s19+$0xE000]  }
.Ltmp4:
0x136: {  	v14 =	vld [tilespmem:s19+$0xE080];
	(pc) =	sbr.rel @p2 .LBB2_7-.Ltmp4, $4  }
0x137: {  	v15 =	vld [tilespmem:s19+$0xE100]  }
0x138: {  	v19 =	vadd.f32 v17, v18;
	v20 =	vadd.f32 v21, v20;
	v16 =	vld [tilespmem:s19+$0xE180]  }
0x139: {  	v21 =	vadd.f32 v23, v22;
	v22 =	vadd.f32 v25, v24;
	v17 =	vld [tilespmem:s19+$0xE200]  }
0x13a: {  	s18 =	sadd.s32 $0x10, s18;
	v23 =	vadd.f32 v27, v26;
	v24 =	vadd.f32 v29, v28;
	v18 =	vld [tilespmem:s19+$0xE280]  }
0x13b: {  	v25 =	vld [tilespmem:s19+$0xE300];
	v4 =	vadd.f32 v7, v4;
	v53 =	vadd.f32 v11, v8  }
0x13c: {  	v54 =	vld [tilespmem:s19+$0xE380];
	v55 =	vadd.f32 v20, v19;
	v56 =	vadd.f32 v22, v21  }
0x13d: {  	v1 =	vadd.f32 v2, v1;
	v2 =	vadd.f32 v5, v3  }
0x13e: {  	v3 =	vadd.f32 v9, v6;
	v58 =	vadd.f32 v12, v10  }
0x13f: {  	v59 =	vadd.f32 v14, v13;
	v57 =	vadd.f32 v24, v23  }
0x140: {  	v4 =	vadd.f32 v53, v4;
	v60 =	vadd.f32 v16, v15  }
0x141: {  	v61 =	vadd.f32 v18, v17;
	v8 =	vadd.f32 v54, v25  }
0x142: {  	v1 =	vadd.f32 v2, v1;
	v2 =	vadd.f32 v58, v3  }
0x143: {  	v3 =	vadd.f32 v60, v59;
	v62 =	vadd.f32 v8, v61  }
0x144: {  	v63 =	vadd.f32 v56, v55;
	v4 =	vadd.f32 v4, v57  }
0x145: {  	s16 =	sadd.s32 $0x10, s16;
	v1 =	vadd.f32 v2, v1;
	v2 =	vadd.f32 v62, v3  }
0x146: {  	v3 =	vld [tilespmem:s16+$0x0]  }
0x147: {  	v4 =	vadd.f32 v4, v63;
	v1 =	vadd.f32 v2, v1;
	_ =	sdelay $0x1  }
.Ltmp5:
0x148: {  	v1 =	vadd.f32 v1, v4;
	(pc) =	sbr.rel @p1 .LBB2_10-.Ltmp5, $3  }
0x149: {  	_ = 	snop  }
0x14a: {  	v1 =	vadd.f32 v1, v3;
	_ =	sdelay $0x1  }
0x14b: {  	[tilespmem:s16+$0x0] =	vst v1  }
.Ltmp6:
0x14c: {  	(pc) =	sbr.rel .LBB2_4-.Ltmp6, $4  }
0x14d: {  	s15 =	sadd.s32 s15, s7  }
0x14e: {  	s15 =	sshrl.u32 s15, $0x3  }
0x14f: {  	s14 =	sadd.s32 $0x1, s14;
	s15 =	sadd.s32 s1, s15  }
0x150: {  	[tilespmem:s28], [sflag:$0x2] =	stream.linear.gather [hbm4b:s15+s3], $0x8000, $0x38;
	[tilespmem:$0x10800] =	vst v63  }
.LBB2_10:
0x151: {  	[spmem:s8] =	stream.strided.scatter [tilespmem:s2], [sflag:$0x3], $0x400, s0, s31, $0x38;
	[tilespmem:$0x10800] =	vst v63  }
.Ltmp7:
0x152: {  	_ =	swait.ge [sflag:s10], $0x400;
	(pc) =	sbr.rel @p0 .LBB2_14-.Ltmp7, $3  }
0x153: {  	[sflag:s10] =	ssyncset.done $0x0  }
0x154: {  	[sflag:s10] =	ssyncadd.s32 $0xFFFFFC00  }
0x155: {  	[bflag:$0x0] =	sbarrier.arrive $0xFFFF;
	_ =	sdelay $0x1  }
0x156: {  	s13 =	simm.s32 $0x0  }
0x157: {  	[tilespmem:s13], [sflag:$0x3] =	stream.linear.gather [spmem:s9], $0x80, $0x38;
	[tilespmem:$0x10800] =	vst v63  }
0x158: {  	s14 =	rddreg [dreg:$0x6]  }
0x159: {  	[tilespmem:s0], [sflag:$0x3] =	stream.linear.gather [spmem:s14], $0x80, $0x38;
	[tilespmem:$0x10800] =	vst v63  }
0x15a: {  	s16 =	rddreg [dreg:$0x7];
	s15 =	simm.s32 $0x800  }
0x15b: {  	[tilespmem:s15], [sflag:$0x3] =	stream.linear.gather [spmem:s16], $0x80, $0x38;
	[tilespmem:$0x10800] =	vst v63  }
0x15c: {  	s17 =	rddreg [dreg:$0x8];
	s18 =	simm.s32 $0xC00  }
0x15d: {  	[tilespmem:s18], [sflag:$0x3] =	stream.linear.gather [spmem:s17], $0x80, $0x38;
	[tilespmem:$0x10800] =	vst v63  }
0x15e: {  	s19 =	rddreg [dreg:$0x9];
	s20 =	simm.s32 $0x1000  }
0x15f: {  	[tilespmem:s20], [sflag:$0x3] =	stream.linear.gather [spmem:s19], $0x80, $0x38;
	[tilespmem:$0x10800] =	vst v63  }
0x160: {  	s15 =	rddreg [dreg:$0xa];
	s16 =	simm.s32 $0x1400  }
0x161: {  	[tilespmem:s16], [sflag:$0x3] =	stream.linear.gather [spmem:s15], $0x80, $0x38;
	[tilespmem:$0x10800] =	vst v63  }
0x162: {  	s17 =	rddreg [dreg:$0xb];
	s18 =	simm.s32 $0x1800  }
0x163: {  	[tilespmem:s18], [sflag:$0x3] =	stream.linear.gather [spmem:s17], $0x80, $0x38;
	[tilespmem:$0x10800] =	vst v63  }
0x164: {  	s19 =	rddreg [dreg:$0xc];
	s20 =	simm.s32 $0x1C00  }
0x165: {  	[tilespmem:s20], [sflag:$0x3] =	stream.linear.gather [spmem:s19], $0x80, $0x38;
	[tilespmem:$0x10800] =	vst v63  }
0x166: {  	_ =	swait.ge [sflag:s10], $0x400  }
0x167: {  	[sflag:s10] =	ssyncset.done $0x0  }
0x168: {  	s16 =	rddreg [dreg:$0x4];
	[sflag:s10] =	ssyncadd.s32 $0xFFFFFC00  }
0x169: {  	[tilespmem:s31], [sflag:$0x3] =	stream.linear.gather [spmem:s16], $0x80, $0x38;
	[tilespmem:$0x10800] =	vst v63  }
0x16a: {  	s18 =	simm.s32 $0x480;
	s17 =	rddreg [dreg:$0xd]  }
0x16b: {  	[tilespmem:s18], [sflag:$0x3] =	stream.linear.gather [spmem:s17], $0x80, $0x38;
	[tilespmem:$0x10800] =	vst v63  }
0x16c: {  	s19 =	simm.s32 $0x880  }
0x16d: {  	[tilespmem:s19], [sflag:$0x3] =	stream.linear.gather [spmem:s21], $0x80, $0x38;
	[tilespmem:$0x10800] =	vst v63  }
0x16e: {  	s20 =	simm.s32 $0xC80  }
0x16f: {  	[tilespmem:s20], [sflag:$0x3] =	stream.linear.gather [spmem:s22], $0x80, $0x38;
	[tilespmem:$0x10800] =	vst v63  }
0x170: {  	s15 =	simm.s32 $0x1080  }
0x171: {  	[tilespmem:s15], [sflag:$0x3] =	stream.linear.gather [spmem:s23], $0x80, $0x38;
	[tilespmem:$0x10800] =	vst v63  }
0x172: {  	s16 =	simm.s32 $0x1480  }
0x173: {  	[tilespmem:s16], [sflag:$0x3] =	stream.linear.gather [spmem:s24], $0x80, $0x38;
	[tilespmem:$0x10800] =	vst v63  }
0x174: {  	s17 =	simm.s32 $0x1880  }
0x175: {  	[tilespmem:s17], [sflag:$0x3] =	stream.linear.gather [spmem:s25], $0x80, $0x38;
	[tilespmem:$0x10800] =	vst v63  }
0x176: {  	s18 =	simm.s32 $0x1C80  }
0x177: {  	[tilespmem:s18], [sflag:$0x3] =	stream.linear.gather [spmem:s26], $0x80, $0x38;
	[tilespmem:$0x10800] =	vst v63  }
0x178: {  	_ =	swait.ge [sflag:s10], $0x400  }
0x179: {  	s19 =	sand.u32 $0x70, s13;
	s13 =	sand.u32 $0x1C00, s13;
	[sflag:s10] =	ssyncset.done $0x0  }
0x17a: {  	s13 =	sor.u32 s19, s13;
	[sflag:s10] =	ssyncadd.s32 $0xFFFFFC00  }
0x17b: {  	v1 =	vld [tilespmem:s13+$0x80]  }
0x17c: {  	v2 =	vld [tilespmem:s13+$0x0];
	_ =	sdelay $0x4  }
0x17d: {  	s14 =	simm.s32 $0x80;
	s20 =	simm.s32 $0x10;
	v1 =	vadd.f32 v1, v2  }
0x17e: {  	s15 =	sand.u32 $0x70, s20;
	s16 =	sand.u32 $0x1C00, s14;
	s13 =	simm.s32 $0x10000  }
0x17f: {  	s16 =	sor.u32 s15, s16;
	s15 =	simm.s32 $0x20;
	[tilespmem:s13+$0x0] =	vst v1  }
.LBB2_12:
0x180: {  	p1 =	sne.s32 s15, $0x3F0;
	v1 =	vld [tilespmem:s16+$0x80]  }
0x181: {  	v2 =	vld [tilespmem:s16+$0x0];
	_ =	sdelay $0x2  }
.Ltmp8:
0x182: {  	(pc) =	sbr.rel @p1 .LBB2_12-.Ltmp8, $4  }
0x183: {  	_ = 	snop  }
0x184: {  	s14 =	sadd.s32 $0x80, s14;
	v1 =	vadd.f32 v1, v2  }
0x185: {  	s13 =	sadd.s32 $0x10, s13;
	s16 =	sand.u32 $0x70, s15;
	s17 =	sand.u32 $0x1C00, s14  }
0x186: {  	s15 =	sadd.s32 $0x10, s15;
	s16 =	sor.u32 s16, s17;
	[tilespmem:s13+$0x0] =	vst v1  }
0x187: {  	v1 =	vld [tilespmem:s16+$0x80]  }
0x188: {  	v2 =	vld [tilespmem:s16+$0x0];
	_ =	sdelay $0x4  }
0x189: {  	v1 =	vadd.f32 v1, v2  }
0x18a: {  	s13 =	sadd.s32 $0x10, s13  }
.Ltmp9:
0x18b: {  	s20 =	rddreg [dreg:$0x5];
	[tilespmem:s13+$0x0] =	vst v1;
	(pc) =	sbr.rel .LBB2_14-.Ltmp9, $4  }
0x18c: {  	[hbm4b:s20+s31] =	stream.strided.scatter [tilespmem:s2], [sflag:$0x3], $0x400, s0, s31, $0x38;
	[tilespmem:$0x10800] =	vst v63  }
0x18d: {  	_ =	swait.ge [sflag:s10], $0x400  }
0x18e: {  	[sflag:s10] =	ssyncset.done $0x0  }
0x18f: {  	[sflag:s10] =	ssyncadd.s32 $0xFFFFFC00  }
.LBB2_15:
0x190: {  	_ =	sfence.sel $0x180000  }
0x191: {  	[bflag:$0x0] =	sbarrier.arrive $0xFFFF  }
0x192: {  	_ =	strace $0x90000047  }
0x193: {  	s0 =	stileid.u32;
	[bflag:$0x2] =	sbarrier.arrive $0xFFFF  }
0x194: {  	p0 =	sne.s32 s0, $0x0;
	s0 =	rddreg [dreg:$0x3]  }
0x195: {  	s0 =	sadd.s32 @!p0 $0x100000, s0  }
0x196: {  	[sflag:s0] =	ssyncadd.tile.s32 @!p0 $0x1;
	_ =	shalt  }
.Lfunc_end2:
_tile_overlayer_lowered:
.L_overlay_start_2:
0x197: {  	(tag) =	ssettag $0x2  }
0x198: {  	s0 =	rddreg [dreg:$0x0];
	s2 =	stileid.u32  }
0x199: {  	s1 =	rddreg [dreg:$0x1];
	p0 =	sne.s32 s2, $0x0  }
0x19a: {  	s3 =	rddreg [dreg:$0x2];
	[bflag:$0x3] =	sbarrier.arrive $0xFFFF;
	s2 =	simm.s32 @!p0 $0x1C03  }
0x19b: {  	[timem:s3], [sflag:s2] =	dma.local @!p0 [hbm:s0], s1  }
0x19c: {  	s0 =	simm.s32 @!p0 $0x3  }
0x19d: {  	_ =	swait.ge @!p0 [sflag:s0], s1  }
0x19e: {  	s1 =	ssub.s32 @!p0 $0x0, s1;
	[sflag:s0] =	ssyncset.done @!p0 $0x0  }
0x19f: {  	[sflag:s0] =	ssyncadd.s32 @!p0 s1  }
0x1a0: {  	[bflag:$0x3] =	sbarrier.arrive $0xFFFF  }
0x1a1: {  	_ =	shalt  }

</sc_bundles>
